<compile_context>
chip_gen: v7x
topology: tpu7x:2x2x1
jax: 0.10.2.dev20260603
libtpu: 0.0.44.dev20260713+nightly
codegen_flags: <defaults>
</compile_context>

<pallas_src>
import functools

import jax
import jax.numpy as jnp
from jax import lax
from jax.experimental import pallas as pl
from jax.experimental.pallas import tpu as pltpu
from jax.experimental.pallas import tpu_sc as plsc

NC = 2
NS = 16
NW = NC * NS
CHUNK = 128
KG = 5


@functools.partial(jax.jit, static_argnums=(2, 3))
def _gather_rows(idx2d, table, chunks_per_w, d):
    mesh = plsc.VectorSubcoreMesh(core_axis_name="c", subcore_axis_name="s")
    total = idx2d.shape[0] * CHUNK
    group = KG * CHUNK
    nsteps = chunks_per_w // KG

    @functools.partial(
        pl.kernel,
        out_type=jax.ShapeDtypeStruct((total, d), jnp.float32),
        mesh=mesh,
        scratch_types=[
            pltpu.VMEM((chunks_per_w, CHUNK), jnp.int32),
            pltpu.VMEM((group, d), jnp.float32),
            pltpu.VMEM((group, d), jnp.float32),
            pltpu.SemaphoreType.DMA,
            pltpu.SemaphoreType.DMA,
            pltpu.SemaphoreType.DMA,
            pltpu.SemaphoreType.DMA,
        ],
        compiler_params=pltpu.CompilerParams(use_tc_tiling_on_sc=False),
    )
    def run(tab_hbm, idx_hbm, out_hbm, idx_v, buf0, buf1, g0, g1, o0, o1):
        wid = lax.axis_index("s") * NC + lax.axis_index("c")
        chunk0 = wid * chunks_per_w
        row0 = chunk0 * CHUNK
        pltpu.sync_copy(idx_hbm.at[pl.ds(chunk0, chunks_per_w)], idx_v)

        bufs = (buf0, buf1)
        gsems = (g0, g1)
        osems = (o0, o1)

        def fire_g(s, b):
            for t in range(KG):
                pltpu.async_copy(
                    tab_hbm.at[idx_v.at[s * KG + t]],
                    bufs[b].at[pl.ds(t * CHUNK, CHUNK)],
                    gsems[b],
                )

        def drain_g(b):
            pltpu.make_async_copy(
                tab_hbm.at[pl.ds(0, group)], bufs[b], gsems[b]
            ).wait()

        def fire_o(s, b):
            pltpu.async_copy(
                bufs[b], out_hbm.at[pl.ds(row0 + s * group, group)], osems[b]
            )

        def wait_o(b):
            pltpu.make_async_copy(
                bufs[b], out_hbm.at[pl.ds(0, group)], osems[b]
            ).wait()

        fire_g(0, 0)
        fire_g(1, 1)
        drain_g(0)
        fire_o(0, 0)

        def body(i, carry):
            drain_g(1)
            fire_o(2 * i + 1, 1)
            wait_o(0)
            fire_g(2 * i + 2, 0)
            drain_g(0)
            fire_o(2 * i + 2, 0)
            wait_o(1)
            fire_g(2 * i + 3, 1)
            return carry

        lax.fori_loop(0, (nsteps - 2) // 2, body, 0)

        drain_g(1)
        wait_o(0)
        fire_o(nsteps - 1, 1)
        wait_o(1)

    return run(table, idx2d)


def kernel(indices, table):
    b, h = indices.shape
    v, d = table.shape
    total = b * h
    assert total % (NW * CHUNK * KG) == 0
    chunks_per_w = total // (NW * CHUNK)
    idx2d = indices.reshape(total // CHUNK, CHUNK).astype(jnp.int32)
    out = _gather_rows(idx2d, table, chunks_per_w, d)
    return out.reshape(b, h, d)

# --- scband reference (transcript-rebuilt; emitter-appended) ---
"""Pipeline reference for scband-pretrained-embedding-83056077570579 (READ-ONLY COPY).

The authoritative reference and input builder live on the scoring server;
editing this copy changes nothing except your own understanding.
"""

import jax, jax.numpy as jnp
import numpy as np

VOCAB = 100000
EMBED_DIM = 64
BATCH = 16384
HIST = 50


def setup_inputs(seed: int = 0) -> dict:
    key = jax.random.key(seed)
    k_idx, k_tab = jax.random.split(key)
    indices = jax.random.randint(k_idx, (BATCH, HIST), 0, VOCAB)
    # pretrained embedding table (the nn.Embedding.from_pretrained weights)
    table = jax.random.normal(k_tab, (VOCAB, EMBED_DIM), dtype=jnp.float32)
    return {"indices": indices, "table": table}


def reference(indices, table):
    # forward: embedding lookup (dropout p=0.0 is identity; no projection)
    x = jnp.take(table, indices, axis=0)
    return x

if __name__ == "__main__":
    import jax
    _d = setup_inputs()
    print(jax.jit(kernel)(*tuple(_d.values())))

</pallas_src>

<mosaic_0001>
#map = affine_map<(d0, d1) -> (0, 0)>
module attributes {stable_mosaic.version = 14 : i64} {
  func.func @run(%arg0: i32, %arg1: i32, %arg2: memref<100000x64xf32, #tpu.memory_space<hbm>>, %arg3: memref<6400x128xi32, #tpu.memory_space<hbm>>, %arg4: memref<819200x64xf32, #tpu.memory_space<hbm>>, %arg5: memref<200x128xi32, #tpu.memory_space<vmem>>, %arg6: memref<640x64xf32, #tpu.memory_space<vmem>>, %arg7: memref<640x64xf32, #tpu.memory_space<vmem>>, %arg8: memref<!tpu.dma_semaphore, #tpu.memory_space<semaphore_mem>>, %arg9: memref<!tpu.dma_semaphore, #tpu.memory_space<semaphore_mem>>, %arg10: memref<!tpu.dma_semaphore, #tpu.memory_space<semaphore_mem>>, %arg11: memref<!tpu.dma_semaphore, #tpu.memory_space<semaphore_mem>>) attributes {dimension_semantics = [#tpu.dimension_semantics<core_parallel>, #tpu.dimension_semantics<subcore_parallel>], iteration_bounds = array<i64: 2, 16>, scalar_prefetch = 0 : i64, scratch_operands = 7 : i64, tpu.core_type = #tpu.core_type<sc_vector_subcore>, window_params = [{transform_indices = #map}, {transform_indices = #map}, {transform_indices = #map}]} {
    %mul3A = arith.constant 2 : i32
    %mul3A_0 = arith.muli %arg1, %mul3A : i32
    %add3A = arith.addi %mul3A_0, %arg0 : i32
    %mul3A_1 = arith.constant 200 : i32
    %mul3A_2 = arith.muli %add3A, %mul3A_1 : i32
    %mul3A_3 = arith.constant 128 : i32
    %mul3A_4 = arith.muli %mul3A_2, %mul3A_3 : i32
    "tpu.region"() ({
      %run_scoped3A = tpu.sem_alloc : memref<!tpu.dma_semaphore, #tpu.memory_space<semaphore_mem>>
      %dma_start3A_144 = arith.constant 0 : i32
      %dma_start3A_145 = tpu.memref_slice %arg3[%mul3A_2, %dma_start3A_144] : memref<6400x128xi32, #tpu.memory_space<hbm>> -> memref<200x128xi32, #tpu.memory_space<hbm>>
      %dma_start3A_146 = arith.constant 0 : i32
      %dma_start3A_147 = tpu.memref_slice %arg3[%mul3A_2, %dma_start3A_146] : memref<6400x128xi32, #tpu.memory_space<hbm>> -> memref<200x128xi32, #tpu.memory_space<hbm>>
      tpu.enqueue_dma source(%dma_start3A_147 : memref<200x128xi32, #tpu.memory_space<hbm>>) target(%arg5 : memref<200x128xi32, #tpu.memory_space<vmem>>) target_semaphore(%run_scoped3A : memref<!tpu.dma_semaphore, #tpu.memory_space<semaphore_mem>>)
      %dma_wait3A_148 = arith.constant 0 : i32
      %dma_wait3A_149 = tpu.memref_slice %arg3[%mul3A_2, %dma_wait3A_148] : memref<6400x128xi32, #tpu.memory_space<hbm>> -> memref<200x128xi32, #tpu.memory_space<hbm>>
      %dma_wait3A_150 = arith.constant 0 : i32
      %dma_wait3A_151 = tpu.memref_slice %arg3[%mul3A_2, %dma_wait3A_150] : memref<6400x128xi32, #tpu.memory_space<hbm>> -> memref<200x128xi32, #tpu.memory_space<hbm>>
      tpu.wait_dma2 semaphore(%run_scoped3A : memref<!tpu.dma_semaphore, #tpu.memory_space<semaphore_mem>>) src(%dma_wait3A_151 : memref<200x128xi32, #tpu.memory_space<hbm>>) dst(%arg5 : memref<200x128xi32, #tpu.memory_space<vmem>>)
      tpu.yield
    }) : () -> ()
    %dma_start3A = arith.constant 0 : i32
    %dma_start3A_5 = arith.constant 0 : i32
    %dma_start3A_6 = arith.constant 0 : i32
    %dma_start3A_7 = tpu.memref_slice %arg6[%dma_start3A_5, %dma_start3A_6] : memref<640x64xf32, #tpu.memory_space<vmem>> -> memref<128x64xf32, #tpu.memory_space<vmem>>
    %dma_start3A_8 = arith.constant 0 : i32
    %dma_start3A_9 = tpu.memref_slice %arg5[%dma_start3A, %dma_start3A_8] : memref<200x128xi32, #tpu.memory_space<vmem>> -> memref<1x128xi32, #tpu.memory_space<vmem>>
    %dma_start3A_10 = tpu.memref_squeeze %dma_start3A_9 : memref<1x128xi32, #tpu.memory_space<vmem>> -> memref<128xi32, #tpu.memory_space<vmem>>
    %dma_start3A_11 = arith.constant 0 : i32
    %dma_start3A_12 = arith.constant 0 : i32
    %dma_start3A_13 = tpu.memref_slice %arg2[%dma_start3A_11, %dma_start3A_12] : memref<100000x64xf32, #tpu.memory_space<hbm>> -> memref<100000x64xf32, #tpu.memory_space<hbm>>
    tpu.enqueue_indirect_dma source(%dma_start3A_13 : memref<100000x64xf32, #tpu.memory_space<hbm>>) target(%dma_start3A_7 : memref<128x64xf32, #tpu.memory_space<vmem>>) offsets(%dma_start3A_10 : memref<128xi32, #tpu.memory_space<vmem>>) semaphore(%arg8 : memref<!tpu.dma_semaphore, #tpu.memory_space<semaphore_mem>>)
    %dma_start3A_14 = arith.constant 1 : i32
    %dma_start3A_15 = arith.constant 128 : i32
    %dma_start3A_16 = arith.constant 0 : i32
    %dma_start3A_17 = tpu.memref_slice %arg6[%dma_start3A_15, %dma_start3A_16] : memref<640x64xf32, #tpu.memory_space<vmem>> -> memref<128x64xf32, #tpu.memory_space<vmem>>
    %dma_start3A_18 = arith.constant 0 : i32
    %dma_start3A_19 = tpu.memref_slice %arg5[%dma_start3A_14, %dma_start3A_18] : memref<200x128xi32, #tpu.memory_space<vmem>> -> memref<1x128xi32, #tpu.memory_space<vmem>>
    %dma_start3A_20 = tpu.memref_squeeze %dma_start3A_19 : memref<1x128xi32, #tpu.memory_space<vmem>> -> memref<128xi32, #tpu.memory_space<vmem>>
    %dma_start3A_21 = arith.constant 0 : i32
    %dma_start3A_22 = arith.constant 0 : i32
    %dma_start3A_23 = tpu.memref_slice %arg2[%dma_start3A_21, %dma_start3A_22] : memref<100000x64xf32, #tpu.memory_space<hbm>> -> memref<100000x64xf32, #tpu.memory_space<hbm>>
    tpu.enqueue_indirect_dma source(%dma_start3A_23 : memref<100000x64xf32, #tpu.memory_space<hbm>>) target(%dma_start3A_17 : memref<128x64xf32, #tpu.memory_space<vmem>>) offsets(%dma_start3A_20 : memref<128xi32, #tpu.memory_space<vmem>>) semaphore(%arg8 : memref<!tpu.dma_semaphore, #tpu.memory_space<semaphore_mem>>)
    %dma_start3A_24 = arith.constant 2 : i32
    %dma_start3A_25 = arith.constant 256 : i32
    %dma_start3A_26 = arith.constant 0 : i32
    %dma_start3A_27 = tpu.memref_slice %arg6[%dma_start3A_25, %dma_start3A_26] : memref<640x64xf32, #tpu.memory_space<vmem>> -> memref<128x64xf32, #tpu.memory_space<vmem>>
    %dma_start3A_28 = arith.constant 0 : i32
    %dma_start3A_29 = tpu.memref_slice %arg5[%dma_start3A_24, %dma_start3A_28] : memref<200x128xi32, #tpu.memory_space<vmem>> -> memref<1x128xi32, #tpu.memory_space<vmem>>
    %dma_start3A_30 = tpu.memref_squeeze %dma_start3A_29 : memref<1x128xi32, #tpu.memory_space<vmem>> -> memref<128xi32, #tpu.memory_space<vmem>>
    %dma_start3A_31 = arith.constant 0 : i32
    %dma_start3A_32 = arith.constant 0 : i32
    %dma_start3A_33 = tpu.memref_slice %arg2[%dma_start3A_31, %dma_start3A_32] : memref<100000x64xf32, #tpu.memory_space<hbm>> -> memref<100000x64xf32, #tpu.memory_space<hbm>>
    tpu.enqueue_indirect_dma source(%dma_start3A_33 : memref<100000x64xf32, #tpu.memory_space<hbm>>) target(%dma_start3A_27 : memref<128x64xf32, #tpu.memory_space<vmem>>) offsets(%dma_start3A_30 : memref<128xi32, #tpu.memory_space<vmem>>) semaphore(%arg8 : memref<!tpu.dma_semaphore, #tpu.memory_space<semaphore_mem>>)
    %dma_start3A_34 = arith.constant 3 : i32
    %dma_start3A_35 = arith.constant 384 : i32
    %dma_start3A_36 = arith.constant 0 : i32
    %dma_start3A_37 = tpu.memref_slice %arg6[%dma_start3A_35, %dma_start3A_36] : memref<640x64xf32, #tpu.memory_space<vmem>> -> memref<128x64xf32, #tpu.memory_space<vmem>>
    %dma_start3A_38 = arith.constant 0 : i32
    %dma_start3A_39 = tpu.memref_slice %arg5[%dma_start3A_34, %dma_start3A_38] : memref<200x128xi32, #tpu.memory_space<vmem>> -> memref<1x128xi32, #tpu.memory_space<vmem>>
    %dma_start3A_40 = tpu.memref_squeeze %dma_start3A_39 : memref<1x128xi32, #tpu.memory_space<vmem>> -> memref<128xi32, #tpu.memory_space<vmem>>
    %dma_start3A_41 = arith.constant 0 : i32
    %dma_start3A_42 = arith.constant 0 : i32
    %dma_start3A_43 = tpu.memref_slice %arg2[%dma_start3A_41, %dma_start3A_42] : memref<100000x64xf32, #tpu.memory_space<hbm>> -> memref<100000x64xf32, #tpu.memory_space<hbm>>
    tpu.enqueue_indirect_dma source(%dma_start3A_43 : memref<100000x64xf32, #tpu.memory_space<hbm>>) target(%dma_start3A_37 : memref<128x64xf32, #tpu.memory_space<vmem>>) offsets(%dma_start3A_40 : memref<128xi32, #tpu.memory_space<vmem>>) semaphore(%arg8 : memref<!tpu.dma_semaphore, #tpu.memory_space<semaphore_mem>>)
    %dma_start3A_44 = arith.constant 4 : i32
    %dma_start3A_45 = arith.constant 512 : i32
    %dma_start3A_46 = arith.constant 0 : i32
    %dma_start3A_47 = tpu.memref_slice %arg6[%dma_start3A_45, %dma_start3A_46] : memref<640x64xf32, #tpu.memory_space<vmem>> -> memref<128x64xf32, #tpu.memory_space<vmem>>
    %dma_start3A_48 = arith.constant 0 : i32
    %dma_start3A_49 = tpu.memref_slice %arg5[%dma_start3A_44, %dma_start3A_48] : memref<200x128xi32, #tpu.memory_space<vmem>> -> memref<1x128xi32, #tpu.memory_space<vmem>>
    %dma_start3A_50 = tpu.memref_squeeze %dma_start3A_49 : memref<1x128xi32, #tpu.memory_space<vmem>> -> memref<128xi32, #tpu.memory_space<vmem>>
    %dma_start3A_51 = arith.constant 0 : i32
    %dma_start3A_52 = arith.constant 0 : i32
    %dma_start3A_53 = tpu.memref_slice %arg2[%dma_start3A_51, %dma_start3A_52] : memref<100000x64xf32, #tpu.memory_space<hbm>> -> memref<100000x64xf32, #tpu.memory_space<hbm>>
    tpu.enqueue_indirect_dma source(%dma_start3A_53 : memref<100000x64xf32, #tpu.memory_space<hbm>>) target(%dma_start3A_47 : memref<128x64xf32, #tpu.memory_space<vmem>>) offsets(%dma_start3A_50 : memref<128xi32, #tpu.memory_space<vmem>>) semaphore(%arg8 : memref<!tpu.dma_semaphore, #tpu.memory_space<semaphore_mem>>)
    %dma_start3A_54 = arith.constant 5 : i32
    %dma_start3A_55 = arith.constant 0 : i32
    %dma_start3A_56 = arith.constant 0 : i32
    %dma_start3A_57 = tpu.memref_slice %arg7[%dma_start3A_55, %dma_start3A_56] : memref<640x64xf32, #tpu.memory_space<vmem>> -> memref<128x64xf32, #tpu.memory_space<vmem>>
    %dma_start3A_58 = arith.constant 0 : i32
    %dma_start3A_59 = tpu.memref_slice %arg5[%dma_start3A_54, %dma_start3A_58] : memref<200x128xi32, #tpu.memory_space<vmem>> -> memref<1x128xi32, #tpu.memory_space<vmem>>
    %dma_start3A_60 = tpu.memref_squeeze %dma_start3A_59 : memref<1x128xi32, #tpu.memory_space<vmem>> -> memref<128xi32, #tpu.memory_space<vmem>>
    %dma_start3A_61 = arith.constant 0 : i32
    %dma_start3A_62 = arith.constant 0 : i32
    %dma_start3A_63 = tpu.memref_slice %arg2[%dma_start3A_61, %dma_start3A_62] : memref<100000x64xf32, #tpu.memory_space<hbm>> -> memref<100000x64xf32, #tpu.memory_space<hbm>>
    tpu.enqueue_indirect_dma source(%dma_start3A_63 : memref<100000x64xf32, #tpu.memory_space<hbm>>) target(%dma_start3A_57 : memref<128x64xf32, #tpu.memory_space<vmem>>) offsets(%dma_start3A_60 : memref<128xi32, #tpu.memory_space<vmem>>) semaphore(%arg9 : memref<!tpu.dma_semaphore, #tpu.memory_space<semaphore_mem>>)
    %dma_start3A_64 = arith.constant 6 : i32
    %dma_start3A_65 = arith.constant 128 : i32
    %dma_start3A_66 = arith.constant 0 : i32
    %dma_start3A_67 = tpu.memref_slice %arg7[%dma_start3A_65, %dma_start3A_66] : memref<640x64xf32, #tpu.memory_space<vmem>> -> memref<128x64xf32, #tpu.memory_space<vmem>>
    %dma_start3A_68 = arith.constant 0 : i32
    %dma_start3A_69 = tpu.memref_slice %arg5[%dma_start3A_64, %dma_start3A_68] : memref<200x128xi32, #tpu.memory_space<vmem>> -> memref<1x128xi32, #tpu.memory_space<vmem>>
    %dma_start3A_70 = tpu.memref_squeeze %dma_start3A_69 : memref<1x128xi32, #tpu.memory_space<vmem>> -> memref<128xi32, #tpu.memory_space<vmem>>
    %dma_start3A_71 = arith.constant 0 : i32
    %dma_start3A_72 = arith.constant 0 : i32
    %dma_start3A_73 = tpu.memref_slice %arg2[%dma_start3A_71, %dma_start3A_72] : memref<100000x64xf32, #tpu.memory_space<hbm>> -> memref<100000x64xf32, #tpu.memory_space<hbm>>
    tpu.enqueue_indirect_dma source(%dma_start3A_73 : memref<100000x64xf32, #tpu.memory_space<hbm>>) target(%dma_start3A_67 : memref<128x64xf32, #tpu.memory_space<vmem>>) offsets(%dma_start3A_70 : memref<128xi32, #tpu.memory_space<vmem>>) semaphore(%arg9 : memref<!tpu.dma_semaphore, #tpu.memory_space<semaphore_mem>>)
    %dma_start3A_74 = arith.constant 7 : i32
    %dma_start3A_75 = arith.constant 256 : i32
    %dma_start3A_76 = arith.constant 0 : i32
    %dma_start3A_77 = tpu.memref_slice %arg7[%dma_start3A_75, %dma_start3A_76] : memref<640x64xf32, #tpu.memory_space<vmem>> -> memref<128x64xf32, #tpu.memory_space<vmem>>
    %dma_start3A_78 = arith.constant 0 : i32
    %dma_start3A_79 = tpu.memref_slice %arg5[%dma_start3A_74, %dma_start3A_78] : memref<200x128xi32, #tpu.memory_space<vmem>> -> memref<1x128xi32, #tpu.memory_space<vmem>>
    %dma_start3A_80 = tpu.memref_squeeze %dma_start3A_79 : memref<1x128xi32, #tpu.memory_space<vmem>> -> memref<128xi32, #tpu.memory_space<vmem>>
    %dma_start3A_81 = arith.constant 0 : i32
    %dma_start3A_82 = arith.constant 0 : i32
    %dma_start3A_83 = tpu.memref_slice %arg2[%dma_start3A_81, %dma_start3A_82] : memref<100000x64xf32, #tpu.memory_space<hbm>> -> memref<100000x64xf32, #tpu.memory_space<hbm>>
    tpu.enqueue_indirect_dma source(%dma_start3A_83 : memref<100000x64xf32, #tpu.memory_space<hbm>>) target(%dma_start3A_77 : memref<128x64xf32, #tpu.memory_space<vmem>>) offsets(%dma_start3A_80 : memref<128xi32, #tpu.memory_space<vmem>>) semaphore(%arg9 : memref<!tpu.dma_semaphore, #tpu.memory_space<semaphore_mem>>)
    %dma_start3A_84 = arith.constant 8 : i32
    %dma_start3A_85 = arith.constant 384 : i32
    %dma_start3A_86 = arith.constant 0 : i32
    %dma_start3A_87 = tpu.memref_slice %arg7[%dma_start3A_85, %dma_start3A_86] : memref<640x64xf32, #tpu.memory_space<vmem>> -> memref<128x64xf32, #tpu.memory_space<vmem>>
    %dma_start3A_88 = arith.constant 0 : i32
    %dma_start3A_89 = tpu.memref_slice %arg5[%dma_start3A_84, %dma_start3A_88] : memref<200x128xi32, #tpu.memory_space<vmem>> -> memref<1x128xi32, #tpu.memory_space<vmem>>
    %dma_start3A_90 = tpu.memref_squeeze %dma_start3A_89 : memref<1x128xi32, #tpu.memory_space<vmem>> -> memref<128xi32, #tpu.memory_space<vmem>>
    %dma_start3A_91 = arith.constant 0 : i32
    %dma_start3A_92 = arith.constant 0 : i32
    %dma_start3A_93 = tpu.memref_slice %arg2[%dma_start3A_91, %dma_start3A_92] : memref<100000x64xf32, #tpu.memory_space<hbm>> -> memref<100000x64xf32, #tpu.memory_space<hbm>>
    tpu.enqueue_indirect_dma source(%dma_start3A_93 : memref<100000x64xf32, #tpu.memory_space<hbm>>) target(%dma_start3A_87 : memref<128x64xf32, #tpu.memory_space<vmem>>) offsets(%dma_start3A_90 : memref<128xi32, #tpu.memory_space<vmem>>) semaphore(%arg9 : memref<!tpu.dma_semaphore, #tpu.memory_space<semaphore_mem>>)
    %dma_start3A_94 = arith.constant 9 : i32
    %dma_start3A_95 = arith.constant 512 : i32
    %dma_start3A_96 = arith.constant 0 : i32
    %dma_start3A_97 = tpu.memref_slice %arg7[%dma_start3A_95, %dma_start3A_96] : memref<640x64xf32, #tpu.memory_space<vmem>> -> memref<128x64xf32, #tpu.memory_space<vmem>>
    %dma_start3A_98 = arith.constant 0 : i32
    %dma_start3A_99 = tpu.memref_slice %arg5[%dma_start3A_94, %dma_start3A_98] : memref<200x128xi32, #tpu.memory_space<vmem>> -> memref<1x128xi32, #tpu.memory_space<vmem>>
    %dma_start3A_100 = tpu.memref_squeeze %dma_start3A_99 : memref<1x128xi32, #tpu.memory_space<vmem>> -> memref<128xi32, #tpu.memory_space<vmem>>
    %dma_start3A_101 = arith.constant 0 : i32
    %dma_start3A_102 = arith.constant 0 : i32
    %dma_start3A_103 = tpu.memref_slice %arg2[%dma_start3A_101, %dma_start3A_102] : memref<100000x64xf32, #tpu.memory_space<hbm>> -> memref<100000x64xf32, #tpu.memory_space<hbm>>
    tpu.enqueue_indirect_dma source(%dma_start3A_103 : memref<100000x64xf32, #tpu.memory_space<hbm>>) target(%dma_start3A_97 : memref<128x64xf32, #tpu.memory_space<vmem>>) offsets(%dma_start3A_100 : memref<128xi32, #tpu.memory_space<vmem>>) semaphore(%arg9 : memref<!tpu.dma_semaphore, #tpu.memory_space<semaphore_mem>>)
    %dma_wait3A = arith.constant 0 : i32
    %dma_wait3A_104 = arith.constant 0 : i32
    %dma_wait3A_105 = tpu.memref_slice %arg2[%dma_wait3A, %dma_wait3A_104] : memref<100000x64xf32, #tpu.memory_space<hbm>> -> memref<640x64xf32, #tpu.memory_space<hbm>>
    %dma_wait3A_106 = arith.constant 0 : i32
    %dma_wait3A_107 = arith.constant 0 : i32
    %dma_wait3A_108 = tpu.memref_slice %arg2[%dma_wait3A_106, %dma_wait3A_107] : memref<100000x64xf32, #tpu.memory_space<hbm>> -> memref<640x64xf32, #tpu.memory_space<hbm>>
    tpu.wait_dma2 semaphore(%arg8 : memref<!tpu.dma_semaphore, #tpu.memory_space<semaphore_mem>>) src(%dma_wait3A_108 : memref<640x64xf32, #tpu.memory_space<hbm>>) dst(%arg6 : memref<640x64xf32, #tpu.memory_space<vmem>>)
    %add3A_109 = arith.constant 0 : i32
    %add3A_110 = arith.addi %mul3A_4, %add3A_109 : i32
    %dma_start3A_111 = arith.constant 0 : i32
    %dma_start3A_112 = tpu.memref_slice %arg4[%add3A_110, %dma_start3A_111] : memref<819200x64xf32, #tpu.memory_space<hbm>> -> memref<640x64xf32, #tpu.memory_space<hbm>>
    %dma_start3A_113 = arith.constant 0 : i32
    %dma_start3A_114 = tpu.memref_slice %arg4[%add3A_110, %dma_start3A_113] : memref<819200x64xf32, #tpu.memory_space<hbm>> -> memref<640x64xf32, #tpu.memory_space<hbm>>
    tpu.enqueue_dma source(%arg6 : memref<640x64xf32, #tpu.memory_space<vmem>>) target(%dma_start3A_114 : memref<640x64xf32, #tpu.memory_space<hbm>>) target_semaphore(%arg10 : memref<!tpu.dma_semaphore, #tpu.memory_space<semaphore_mem>>)
    %scan3A = arith.constant 0 : i32
    %scan3A_115 = arith.constant 0 : i32
    %scan3A_116 = arith.constant 19 : i32
    %scan3A_117 = arith.addi %scan3A_115, %scan3A_116 : i32
    %scan3A_118 = arith.constant 1 : i32
    scf.for %scan3A_144 = %scan3A_115 to %scan3A_117 step %scan3A_118  : i32 {
      %dma_wait3A_145 = arith.constant 0 : i32
      %dma_wait3A_146 = arith.constant 0 : i32
      %dma_wait3A_147 = tpu.memref_slice %arg2[%dma_wait3A_145, %dma_wait3A_146] : memref<100000x64xf32, #tpu.memory_space<hbm>> -> memref<640x64xf32, #tpu.memory_space<hbm>>
      %dma_wait3A_148 = arith.constant 0 : i32
      %dma_wait3A_149 = arith.constant 0 : i32
      %dma_wait3A_150 = tpu.memref_slice %arg2[%dma_wait3A_148, %dma_wait3A_149] : memref<100000x64xf32, #tpu.memory_space<hbm>> -> memref<640x64xf32, #tpu.memory_space<hbm>>
      tpu.wait_dma2 semaphore(%arg9 : memref<!tpu.dma_semaphore, #tpu.memory_space<semaphore_mem>>) src(%dma_wait3A_150 : memref<640x64xf32, #tpu.memory_space<hbm>>) dst(%arg7 : memref<640x64xf32, #tpu.memory_space<vmem>>)
      %mul3A_151 = arith.constant 2 : i32
      %mul3A_152 = arith.muli %mul3A_151, %scan3A_144 : i32
      %add3A_153 = arith.constant 1 : i32
      %add3A_154 = arith.addi %mul3A_152, %add3A_153 : i32
      %mul3A_155 = arith.constant 640 : i32
      %mul3A_156 = arith.muli %add3A_154, %mul3A_155 : i32
      %add3A_157 = arith.addi %mul3A_4, %mul3A_156 : i32
      %dma_start3A_158 = arith.constant 0 : i32
      %dma_start3A_159 = tpu.memref_slice %arg4[%add3A_157, %dma_start3A_158] : memref<819200x64xf32, #tpu.memory_space<hbm>> -> memref<640x64xf32, #tpu.memory_space<hbm>>
      %dma_start3A_160 = arith.constant 0 : i32
      %dma_start3A_161 = tpu.memref_slice %arg4[%add3A_157, %dma_start3A_160] : memref<819200x64xf32, #tpu.memory_space<hbm>> -> memref<640x64xf32, #tpu.memory_space<hbm>>
      tpu.enqueue_dma source(%arg7 : memref<640x64xf32, #tpu.memory_space<vmem>>) target(%dma_start3A_161 : memref<640x64xf32, #tpu.memory_space<hbm>>) target_semaphore(%arg11 : memref<!tpu.dma_semaphore, #tpu.memory_space<semaphore_mem>>)
      %dma_wait3A_162 = arith.constant 0 : i32
      %dma_wait3A_163 = arith.constant 0 : i32
      %dma_wait3A_164 = tpu.memref_slice %arg4[%dma_wait3A_162, %dma_wait3A_163] : memref<819200x64xf32, #tpu.memory_space<hbm>> -> memref<640x64xf32, #tpu.memory_space<hbm>>
      %dma_wait3A_165 = arith.constant 0 : i32
      %dma_wait3A_166 = arith.constant 0 : i32
      %dma_wait3A_167 = tpu.memref_slice %arg4[%dma_wait3A_165, %dma_wait3A_166] : memref<819200x64xf32, #tpu.memory_space<hbm>> -> memref<640x64xf32, #tpu.memory_space<hbm>>
      tpu.wait_dma2 semaphore(%arg10 : memref<!tpu.dma_semaphore, #tpu.memory_space<semaphore_mem>>) src(%arg6 : memref<640x64xf32, #tpu.memory_space<vmem>>) dst(%dma_wait3A_167 : memref<640x64xf32, #tpu.memory_space<hbm>>)
      %mul3A_168 = arith.constant 2 : i32
      %mul3A_169 = arith.muli %mul3A_168, %scan3A_144 : i32
      %add3A_170 = arith.constant 2 : i32
      %add3A_171 = arith.addi %mul3A_169, %add3A_170 : i32
      %mul3A_172 = arith.constant 5 : i32
      %mul3A_173 = arith.muli %add3A_171, %mul3A_172 : i32
      %add3A_174 = arith.constant 0 : i32
      %add3A_175 = arith.addi %mul3A_173, %add3A_174 : i32
      %dma_start3A_176 = arith.constant 0 : i32
      %dma_start3A_177 = arith.constant 0 : i32
      %dma_start3A_178 = tpu.memref_slice %arg6[%dma_start3A_176, %dma_start3A_177] : memref<640x64xf32, #tpu.memory_space<vmem>> -> memref<128x64xf32, #tpu.memory_space<vmem>>
      %dma_start3A_179 = arith.constant 0 : i32
      %dma_start3A_180 = tpu.memref_slice %arg5[%add3A_175, %dma_start3A_179] : memref<200x128xi32, #tpu.memory_space<vmem>> -> memref<1x128xi32, #tpu.memory_space<vmem>>
      %dma_start3A_181 = tpu.memref_squeeze %dma_start3A_180 : memref<1x128xi32, #tpu.memory_space<vmem>> -> memref<128xi32, #tpu.memory_space<vmem>>
      %dma_start3A_182 = arith.constant 0 : i32
      %dma_start3A_183 = arith.constant 0 : i32
      %dma_start3A_184 = tpu.memref_slice %arg2[%dma_start3A_182, %dma_start3A_183] : memref<100000x64xf32, #tpu.memory_space<hbm>> -> memref<100000x64xf32, #tpu.memory_space<hbm>>
      tpu.enqueue_indirect_dma source(%dma_start3A_184 : memref<100000x64xf32, #tpu.memory_space<hbm>>) target(%dma_start3A_178 : memref<128x64xf32, #tpu.memory_space<vmem>>) offsets(%dma_start3A_181 : memref<128xi32, #tpu.memory_space<vmem>>) semaphore(%arg8 : memref<!tpu.dma_semaphore, #tpu.memory_space<semaphore_mem>>)
      %mul3A_185 = arith.constant 5 : i32
      %mul3A_186 = arith.muli %add3A_171, %mul3A_185 : i32
      %add3A_187 = arith.constant 1 : i32
      %add3A_188 = arith.addi %mul3A_186, %add3A_187 : i32
      %dma_start3A_189 = arith.constant 128 : i32
      %dma_start3A_190 = arith.constant 0 : i32
      %dma_start3A_191 = tpu.memref_slice %arg6[%dma_start3A_189, %dma_start3A_190] : memref<640x64xf32, #tpu.memory_space<vmem>> -> memref<128x64xf32, #tpu.memory_space<vmem>>
      %dma_start3A_192 = arith.constant 0 : i32
      %dma_start3A_193 = tpu.memref_slice %arg5[%add3A_188, %dma_start3A_192] : memref<200x128xi32, #tpu.memory_space<vmem>> -> memref<1x128xi32, #tpu.memory_space<vmem>>
      %dma_start3A_194 = tpu.memref_squeeze %dma_start3A_193 : memref<1x128xi32, #tpu.memory_space<vmem>> -> memref<128xi32, #tpu.memory_space<vmem>>
      %dma_start3A_195 = arith.constant 0 : i32
      %dma_start3A_196 = arith.constant 0 : i32
      %dma_start3A_197 = tpu.memref_slice %arg2[%dma_start3A_195, %dma_start3A_196] : memref<100000x64xf32, #tpu.memory_space<hbm>> -> memref<100000x64xf32, #tpu.memory_space<hbm>>
      tpu.enqueue_indirect_dma source(%dma_start3A_197 : memref<100000x64xf32, #tpu.memory_space<hbm>>) target(%dma_start3A_191 : memref<128x64xf32, #tpu.memory_space<vmem>>) offsets(%dma_start3A_194 : memref<128xi32, #tpu.memory_space<vmem>>) semaphore(%arg8 : memref<!tpu.dma_semaphore, #tpu.memory_space<semaphore_mem>>)
      %mul3A_198 = arith.constant 5 : i32
      %mul3A_199 = arith.muli %add3A_171, %mul3A_198 : i32
      %add3A_200 = arith.constant 2 : i32
      %add3A_201 = arith.addi %mul3A_199, %add3A_200 : i32
      %dma_start3A_202 = arith.constant 256 : i32
      %dma_start3A_203 = arith.constant 0 : i32
      %dma_start3A_204 = tpu.memref_slice %arg6[%dma_start3A_202, %dma_start3A_203] : memref<640x64xf32, #tpu.memory_space<vmem>> -> memref<128x64xf32, #tpu.memory_space<vmem>>
      %dma_start3A_205 = arith.constant 0 : i32
      %dma_start3A_206 = tpu.memref_slice %arg5[%add3A_201, %dma_start3A_205] : memref<200x128xi32, #tpu.memory_space<vmem>> -> memref<1x128xi32, #tpu.memory_space<vmem>>
      %dma_start3A_207 = tpu.memref_squeeze %dma_start3A_206 : memref<1x128xi32, #tpu.memory_space<vmem>> -> memref<128xi32, #tpu.memory_space<vmem>>
      %dma_start3A_208 = arith.constant 0 : i32
      %dma_start3A_209 = arith.constant 0 : i32
      %dma_start3A_210 = tpu.memref_slice %arg2[%dma_start3A_208, %dma_start3A_209] : memref<100000x64xf32, #tpu.memory_space<hbm>> -> memref<100000x64xf32, #tpu.memory_space<hbm>>
      tpu.enqueue_indirect_dma source(%dma_start3A_210 : memref<100000x64xf32, #tpu.memory_space<hbm>>) target(%dma_start3A_204 : memref<128x64xf32, #tpu.memory_space<vmem>>) offsets(%dma_start3A_207 : memref<128xi32, #tpu.memory_space<vmem>>) semaphore(%arg8 : memref<!tpu.dma_semaphore, #tpu.memory_space<semaphore_mem>>)
      %mul3A_211 = arith.constant 5 : i32
      %mul3A_212 = arith.muli %add3A_171, %mul3A_211 : i32
      %add3A_213 = arith.constant 3 : i32
      %add3A_214 = arith.addi %mul3A_212, %add3A_213 : i32
      %dma_start3A_215 = arith.constant 384 : i32
      %dma_start3A_216 = arith.constant 0 : i32
      %dma_start3A_217 = tpu.memref_slice %arg6[%dma_start3A_215, %dma_start3A_216] : memref<640x64xf32, #tpu.memory_space<vmem>> -> memref<128x64xf32, #tpu.memory_space<vmem>>
      %dma_start3A_218 = arith.constant 0 : i32
      %dma_start3A_219 = tpu.memref_slice %arg5[%add3A_214, %dma_start3A_218] : memref<200x128xi32, #tpu.memory_space<vmem>> -> memref<1x128xi32, #tpu.memory_space<vmem>>
      %dma_start3A_220 = tpu.memref_squeeze %dma_start3A_219 : memref<1x128xi32, #tpu.memory_space<vmem>> -> memref<128xi32, #tpu.memory_space<vmem>>
      %dma_start3A_221 = arith.constant 0 : i32
      %dma_start3A_222 = arith.constant 0 : i32
      %dma_start3A_223 = tpu.memref_slice %arg2[%dma_start3A_221, %dma_start3A_222] : memref<100000x64xf32, #tpu.memory_space<hbm>> -> memref<100000x64xf32, #tpu.memory_space<hbm>>
      tpu.enqueue_indirect_dma source(%dma_start3A_223 : memref<100000x64xf32, #tpu.memory_space<hbm>>) target(%dma_start3A_217 : memref<128x64xf32, #tpu.memory_space<vmem>>) offsets(%dma_start3A_220 : memref<128xi32, #tpu.memory_space<vmem>>) semaphore(%arg8 : memref<!tpu.dma_semaphore, #tpu.memory_space<semaphore_mem>>)
      %mul3A_224 = arith.constant 5 : i32
      %mul3A_225 = arith.muli %add3A_171, %mul3A_224 : i32
      %add3A_226 = arith.constant 4 : i32
      %add3A_227 = arith.addi %mul3A_225, %add3A_226 : i32
      %dma_start3A_228 = arith.constant 512 : i32
      %dma_start3A_229 = arith.constant 0 : i32
      %dma_start3A_230 = tpu.memref_slice %arg6[%dma_start3A_228, %dma_start3A_229] : memref<640x64xf32, #tpu.memory_space<vmem>> -> memref<128x64xf32, #tpu.memory_space<vmem>>
      %dma_start3A_231 = arith.constant 0 : i32
      %dma_start3A_232 = tpu.memref_slice %arg5[%add3A_227, %dma_start3A_231] : memref<200x128xi32, #tpu.memory_space<vmem>> -> memref<1x128xi32, #tpu.memory_space<vmem>>
      %dma_start3A_233 = tpu.memref_squeeze %dma_start3A_232 : memref<1x128xi32, #tpu.memory_space<vmem>> -> memref<128xi32, #tpu.memory_space<vmem>>
      %dma_start3A_234 = arith.constant 0 : i32
      %dma_start3A_235 = arith.constant 0 : i32
      %dma_start3A_236 = tpu.memref_slice %arg2[%dma_start3A_234, %dma_start3A_235] : memref<100000x64xf32, #tpu.memory_space<hbm>> -> memref<100000x64xf32, #tpu.memory_space<hbm>>
      tpu.enqueue_indirect_dma source(%dma_start3A_236 : memref<100000x64xf32, #tpu.memory_space<hbm>>) target(%dma_start3A_230 : memref<128x64xf32, #tpu.memory_space<vmem>>) offsets(%dma_start3A_233 : memref<128xi32, #tpu.memory_space<vmem>>) semaphore(%arg8 : memref<!tpu.dma_semaphore, #tpu.memory_space<semaphore_mem>>)
      %dma_wait3A_237 = arith.constant 0 : i32
      %dma_wait3A_238 = arith.constant 0 : i32
      %dma_wait3A_239 = tpu.memref_slice %arg2[%dma_wait3A_237, %dma_wait3A_238] : memref<100000x64xf32, #tpu.memory_space<hbm>> -> memref<640x64xf32, #tpu.memory_space<hbm>>
      %dma_wait3A_240 = arith.constant 0 : i32
      %dma_wait3A_241 = arith.constant 0 : i32
      %dma_wait3A_242 = tpu.memref_slice %arg2[%dma_wait3A_240, %dma_wait3A_241] : memref<100000x64xf32, #tpu.memory_space<hbm>> -> memref<640x64xf32, #tpu.memory_space<hbm>>
      tpu.wait_dma2 semaphore(%arg8 : memref<!tpu.dma_semaphore, #tpu.memory_space<semaphore_mem>>) src(%dma_wait3A_242 : memref<640x64xf32, #tpu.memory_space<hbm>>) dst(%arg6 : memref<640x64xf32, #tpu.memory_space<vmem>>)
      %mul3A_243 = arith.constant 2 : i32
      %mul3A_244 = arith.muli %mul3A_243, %scan3A_144 : i32
      %add3A_245 = arith.constant 2 : i32
      %add3A_246 = arith.addi %mul3A_244, %add3A_245 : i32
      %mul3A_247 = arith.constant 640 : i32
      %mul3A_248 = arith.muli %add3A_246, %mul3A_247 : i32
      %add3A_249 = arith.addi %mul3A_4, %mul3A_248 : i32
      %dma_start3A_250 = arith.constant 0 : i32
      %dma_start3A_251 = tpu.memref_slice %arg4[%add3A_249, %dma_start3A_250] : memref<819200x64xf32, #tpu.memory_space<hbm>> -> memref<640x64xf32, #tpu.memory_space<hbm>>
      %dma_start3A_252 = arith.constant 0 : i32
      %dma_start3A_253 = tpu.memref_slice %arg4[%add3A_249, %dma_start3A_252] : memref<819200x64xf32, #tpu.memory_space<hbm>> -> memref<640x64xf32, #tpu.memory_space<hbm>>
      tpu.enqueue_dma source(%arg6 : memref<640x64xf32, #tpu.memory_space<vmem>>) target(%dma_start3A_253 : memref<640x64xf32, #tpu.memory_space<hbm>>) target_semaphore(%arg10 : memref<!tpu.dma_semaphore, #tpu.memory_space<semaphore_mem>>)
      %dma_wait3A_254 = arith.constant 0 : i32
      %dma_wait3A_255 = arith.constant 0 : i32
      %dma_wait3A_256 = tpu.memref_slice %arg4[%dma_wait3A_254, %dma_wait3A_255] : memref<819200x64xf32, #tpu.memory_space<hbm>> -> memref<640x64xf32, #tpu.memory_space<hbm>>
      %dma_wait3A_257 = arith.constant 0 : i32
      %dma_wait3A_258 = arith.constant 0 : i32
      %dma_wait3A_259 = tpu.memref_slice %arg4[%dma_wait3A_257, %dma_wait3A_258] : memref<819200x64xf32, #tpu.memory_space<hbm>> -> memref<640x64xf32, #tpu.memory_space<hbm>>
      tpu.wait_dma2 semaphore(%arg11 : memref<!tpu.dma_semaphore, #tpu.memory_space<semaphore_mem>>) src(%arg7 : memref<640x64xf32, #tpu.memory_space<vmem>>) dst(%dma_wait3A_259 : memref<640x64xf32, #tpu.memory_space<hbm>>)
      %mul3A_260 = arith.constant 2 : i32
      %mul3A_261 = arith.muli %mul3A_260, %scan3A_144 : i32
      %add3A_262 = arith.constant 3 : i32
      %add3A_263 = arith.addi %mul3A_261, %add3A_262 : i32
      %mul3A_264 = arith.constant 5 : i32
      %mul3A_265 = arith.muli %add3A_263, %mul3A_264 : i32
      %add3A_266 = arith.constant 0 : i32
      %add3A_267 = arith.addi %mul3A_265, %add3A_266 : i32
      %dma_start3A_268 = arith.constant 0 : i32
      %dma_start3A_269 = arith.constant 0 : i32
      %dma_start3A_270 = tpu.memref_slice %arg7[%dma_start3A_268, %dma_start3A_269] : memref<640x64xf32, #tpu.memory_space<vmem>> -> memref<128x64xf32, #tpu.memory_space<vmem>>
      %dma_start3A_271 = arith.constant 0 : i32
      %dma_start3A_272 = tpu.memref_slice %arg5[%add3A_267, %dma_start3A_271] : memref<200x128xi32, #tpu.memory_space<vmem>> -> memref<1x128xi32, #tpu.memory_space<vmem>>
      %dma_start3A_273 = tpu.memref_squeeze %dma_start3A_272 : memref<1x128xi32, #tpu.memory_space<vmem>> -> memref<128xi32, #tpu.memory_space<vmem>>
      %dma_start3A_274 = arith.constant 0 : i32
      %dma_start3A_275 = arith.constant 0 : i32
      %dma_start3A_276 = tpu.memref_slice %arg2[%dma_start3A_274, %dma_start3A_275] : memref<100000x64xf32, #tpu.memory_space<hbm>> -> memref<100000x64xf32, #tpu.memory_space<hbm>>
      tpu.enqueue_indirect_dma source(%dma_start3A_276 : memref<100000x64xf32, #tpu.memory_space<hbm>>) target(%dma_start3A_270 : memref<128x64xf32, #tpu.memory_space<vmem>>) offsets(%dma_start3A_273 : memref<128xi32, #tpu.memory_space<vmem>>) semaphore(%arg9 : memref<!tpu.dma_semaphore, #tpu.memory_space<semaphore_mem>>)
      %mul3A_277 = arith.constant 5 : i32
      %mul3A_278 = arith.muli %add3A_263, %mul3A_277 : i32
      %add3A_279 = arith.constant 1 : i32
      %add3A_280 = arith.addi %mul3A_278, %add3A_279 : i32
      %dma_start3A_281 = arith.constant 128 : i32
      %dma_start3A_282 = arith.constant 0 : i32
      %dma_start3A_283 = tpu.memref_slice %arg7[%dma_start3A_281, %dma_start3A_282] : memref<640x64xf32, #tpu.memory_space<vmem>> -> memref<128x64xf32, #tpu.memory_space<vmem>>
      %dma_start3A_284 = arith.constant 0 : i32
      %dma_start3A_285 = tpu.memref_slice %arg5[%add3A_280, %dma_start3A_284] : memref<200x128xi32, #tpu.memory_space<vmem>> -> memref<1x128xi32, #tpu.memory_space<vmem>>
      %dma_start3A_286 = tpu.memref_squeeze %dma_start3A_285 : memref<1x128xi32, #tpu.memory_space<vmem>> -> memref<128xi32, #tpu.memory_space<vmem>>
      %dma_start3A_287 = arith.constant 0 : i32
      %dma_start3A_288 = arith.constant 0 : i32
      %dma_start3A_289 = tpu.memref_slice %arg2[%dma_start3A_287, %dma_start3A_288] : memref<100000x64xf32, #tpu.memory_space<hbm>> -> memref<100000x64xf32, #tpu.memory_space<hbm>>
      tpu.enqueue_indirect_dma source(%dma_start3A_289 : memref<100000x64xf32, #tpu.memory_space<hbm>>) target(%dma_start3A_283 : memref<128x64xf32, #tpu.memory_space<vmem>>) offsets(%dma_start3A_286 : memref<128xi32, #tpu.memory_space<vmem>>) semaphore(%arg9 : memref<!tpu.dma_semaphore, #tpu.memory_space<semaphore_mem>>)
      %mul3A_290 = arith.constant 5 : i32
      %mul3A_291 = arith.muli %add3A_263, %mul3A_290 : i32
      %add3A_292 = arith.constant 2 : i32
      %add3A_293 = arith.addi %mul3A_291, %add3A_292 : i32
      %dma_start3A_294 = arith.constant 256 : i32
      %dma_start3A_295 = arith.constant 0 : i32
      %dma_start3A_296 = tpu.memref_slice %arg7[%dma_start3A_294, %dma_start3A_295] : memref<640x64xf32, #tpu.memory_space<vmem>> -> memref<128x64xf32, #tpu.memory_space<vmem>>
      %dma_start3A_297 = arith.constant 0 : i32
      %dma_start3A_298 = tpu.memref_slice %arg5[%add3A_293, %dma_start3A_297] : memref<200x128xi32, #tpu.memory_space<vmem>> -> memref<1x128xi32, #tpu.memory_space<vmem>>
      %dma_start3A_299 = tpu.memref_squeeze %dma_start3A_298 : memref<1x128xi32, #tpu.memory_space<vmem>> -> memref<128xi32, #tpu.memory_space<vmem>>
      %dma_start3A_300 = arith.constant 0 : i32
      %dma_start3A_301 = arith.constant 0 : i32
      %dma_start3A_302 = tpu.memref_slice %arg2[%dma_start3A_300, %dma_start3A_301] : memref<100000x64xf32, #tpu.memory_space<hbm>> -> memref<100000x64xf32, #tpu.memory_space<hbm>>
      tpu.enqueue_indirect_dma source(%dma_start3A_302 : memref<100000x64xf32, #tpu.memory_space<hbm>>) target(%dma_start3A_296 : memref<128x64xf32, #tpu.memory_space<vmem>>) offsets(%dma_start3A_299 : memref<128xi32, #tpu.memory_space<vmem>>) semaphore(%arg9 : memref<!tpu.dma_semaphore, #tpu.memory_space<semaphore_mem>>)
      %mul3A_303 = arith.constant 5 : i32
      %mul3A_304 = arith.muli %add3A_263, %mul3A_303 : i32
      %add3A_305 = arith.constant 3 : i32
      %add3A_306 = arith.addi %mul3A_304, %add3A_305 : i32
      %dma_start3A_307 = arith.constant 384 : i32
      %dma_start3A_308 = arith.constant 0 : i32
      %dma_start3A_309 = tpu.memref_slice %arg7[%dma_start3A_307, %dma_start3A_308] : memref<640x64xf32, #tpu.memory_space<vmem>> -> memref<128x64xf32, #tpu.memory_space<vmem>>
      %dma_start3A_310 = arith.constant 0 : i32
      %dma_start3A_311 = tpu.memref_slice %arg5[%add3A_306, %dma_start3A_310] : memref<200x128xi32, #tpu.memory_space<vmem>> -> memref<1x128xi32, #tpu.memory_space<vmem>>
      %dma_start3A_312 = tpu.memref_squeeze %dma_start3A_311 : memref<1x128xi32, #tpu.memory_space<vmem>> -> memref<128xi32, #tpu.memory_space<vmem>>
      %dma_start3A_313 = arith.constant 0 : i32
      %dma_start3A_314 = arith.constant 0 : i32
      %dma_start3A_315 = tpu.memref_slice %arg2[%dma_start3A_313, %dma_start3A_314] : memref<100000x64xf32, #tpu.memory_space<hbm>> -> memref<100000x64xf32, #tpu.memory_space<hbm>>
      tpu.enqueue_indirect_dma source(%dma_start3A_315 : memref<100000x64xf32, #tpu.memory_space<hbm>>) target(%dma_start3A_309 : memref<128x64xf32, #tpu.memory_space<vmem>>) offsets(%dma_start3A_312 : memref<128xi32, #tpu.memory_space<vmem>>) semaphore(%arg9 : memref<!tpu.dma_semaphore, #tpu.memory_space<semaphore_mem>>)
      %mul3A_316 = arith.constant 5 : i32
      %mul3A_317 = arith.muli %add3A_263, %mul3A_316 : i32
      %add3A_318 = arith.constant 4 : i32
      %add3A_319 = arith.addi %mul3A_317, %add3A_318 : i32
      %dma_start3A_320 = arith.constant 512 : i32
      %dma_start3A_321 = arith.constant 0 : i32
      %dma_start3A_322 = tpu.memref_slice %arg7[%dma_start3A_320, %dma_start3A_321] : memref<640x64xf32, #tpu.memory_space<vmem>> -> memref<128x64xf32, #tpu.memory_space<vmem>>
      %dma_start3A_323 = arith.constant 0 : i32
      %dma_start3A_324 = tpu.memref_slice %arg5[%add3A_319, %dma_start3A_323] : memref<200x128xi32, #tpu.memory_space<vmem>> -> memref<1x128xi32, #tpu.memory_space<vmem>>
      %dma_start3A_325 = tpu.memref_squeeze %dma_start3A_324 : memref<1x128xi32, #tpu.memory_space<vmem>> -> memref<128xi32, #tpu.memory_space<vmem>>
      %dma_start3A_326 = arith.constant 0 : i32
      %dma_start3A_327 = arith.constant 0 : i32
      %dma_start3A_328 = tpu.memref_slice %arg2[%dma_start3A_326, %dma_start3A_327] : memref<100000x64xf32, #tpu.memory_space<hbm>> -> memref<100000x64xf32, #tpu.memory_space<hbm>>
      tpu.enqueue_indirect_dma source(%dma_start3A_328 : memref<100000x64xf32, #tpu.memory_space<hbm>>) target(%dma_start3A_322 : memref<128x64xf32, #tpu.memory_space<vmem>>) offsets(%dma_start3A_325 : memref<128xi32, #tpu.memory_space<vmem>>) semaphore(%arg9 : memref<!tpu.dma_semaphore, #tpu.memory_space<semaphore_mem>>)
    }
    %scan3A_119 = arith.constant 19 : i32
    %dma_wait3A_120 = arith.constant 0 : i32
    %dma_wait3A_121 = arith.constant 0 : i32
    %dma_wait3A_122 = tpu.memref_slice %arg2[%dma_wait3A_120, %dma_wait3A_121] : memref<100000x64xf32, #tpu.memory_space<hbm>> -> memref<640x64xf32, #tpu.memory_space<hbm>>
    %dma_wait3A_123 = arith.constant 0 : i32
    %dma_wait3A_124 = arith.constant 0 : i32
    %dma_wait3A_125 = tpu.memref_slice %arg2[%dma_wait3A_123, %dma_wait3A_124] : memref<100000x64xf32, #tpu.memory_space<hbm>> -> memref<640x64xf32, #tpu.memory_space<hbm>>
    tpu.wait_dma2 semaphore(%arg9 : memref<!tpu.dma_semaphore, #tpu.memory_space<semaphore_mem>>) src(%dma_wait3A_125 : memref<640x64xf32, #tpu.memory_space<hbm>>) dst(%arg7 : memref<640x64xf32, #tpu.memory_space<vmem>>)
    %dma_wait3A_126 = arith.constant 0 : i32
    %dma_wait3A_127 = arith.constant 0 : i32
    %dma_wait3A_128 = tpu.memref_slice %arg4[%dma_wait3A_126, %dma_wait3A_127] : memref<819200x64xf32, #tpu.memory_space<hbm>> -> memref<640x64xf32, #tpu.memory_space<hbm>>
    %dma_wait3A_129 = arith.constant 0 : i32
    %dma_wait3A_130 = arith.constant 0 : i32
    %dma_wait3A_131 = tpu.memref_slice %arg4[%dma_wait3A_129, %dma_wait3A_130] : memref<819200x64xf32, #tpu.memory_space<hbm>> -> memref<640x64xf32, #tpu.memory_space<hbm>>
    tpu.wait_dma2 semaphore(%arg10 : memref<!tpu.dma_semaphore, #tpu.memory_space<semaphore_mem>>) src(%arg6 : memref<640x64xf32, #tpu.memory_space<vmem>>) dst(%dma_wait3A_131 : memref<640x64xf32, #tpu.memory_space<hbm>>)
    %add3A_132 = arith.constant 24960 : i32
    %add3A_133 = arith.addi %mul3A_4, %add3A_132 : i32
    %dma_start3A_134 = arith.constant 0 : i32
    %dma_start3A_135 = tpu.memref_slice %arg4[%add3A_133, %dma_start3A_134] : memref<819200x64xf32, #tpu.memory_space<hbm>> -> memref<640x64xf32, #tpu.memory_space<hbm>>
    %dma_start3A_136 = arith.constant 0 : i32
    %dma_start3A_137 = tpu.memref_slice %arg4[%add3A_133, %dma_start3A_136] : memref<819200x64xf32, #tpu.memory_space<hbm>> -> memref<640x64xf32, #tpu.memory_space<hbm>>
    tpu.enqueue_dma source(%arg7 : memref<640x64xf32, #tpu.memory_space<vmem>>) target(%dma_start3A_137 : memref<640x64xf32, #tpu.memory_space<hbm>>) target_semaphore(%arg11 : memref<!tpu.dma_semaphore, #tpu.memory_space<semaphore_mem>>)
    %dma_wait3A_138 = arith.constant 0 : i32
    %dma_wait3A_139 = arith.constant 0 : i32
    %dma_wait3A_140 = tpu.memref_slice %arg4[%dma_wait3A_138, %dma_wait3A_139] : memref<819200x64xf32, #tpu.memory_space<hbm>> -> memref<640x64xf32, #tpu.memory_space<hbm>>
    %dma_wait3A_141 = arith.constant 0 : i32
    %dma_wait3A_142 = arith.constant 0 : i32
    %dma_wait3A_143 = tpu.memref_slice %arg4[%dma_wait3A_141, %dma_wait3A_142] : memref<819200x64xf32, #tpu.memory_space<hbm>> -> memref<640x64xf32, #tpu.memory_space<hbm>>
    tpu.wait_dma2 semaphore(%arg11 : memref<!tpu.dma_semaphore, #tpu.memory_space<semaphore_mem>>) src(%arg7 : memref<640x64xf32, #tpu.memory_space<vmem>>) dst(%dma_wait3A_143 : memref<640x64xf32, #tpu.memory_space<hbm>>)
    return
  }
}

</mosaic_0001>

<sc_bundles>
// kernel: _gather_rows.3.cloned.1.call-start
scs
__scs_entry_jumppad:
0x0: {  	(pc) =	sbr.rel $0x88, $3  }
0x1: {  	(tag) =	ssettag $0x0;
	lr =	simm.s32 $0x1  }
0x2: {  	[smem:$0x3F9F] =	sst lr;
	_ =	strace $0xD0000000  }
0x3: {  	_ = 	snop  }
0x4: {  	_ = 	snop  }
0x5: {  	_ = 	snop  }
0x6: {  	_ = 	snop  }
0x7: {  	_ = 	snop  }
__scs_overlays_trampoline_lowered:
0x8: {  	[smem:$0x3FAE] =	sst s0  }
0x9: {  	[smem:$0x3FAF] =	sst s1  }
0xa: {  	[smem:$0x3FB0] =	sst s2  }
0xb: {  	[smem:$0x3FB1] =	sst s3  }
0xc: {  	[smem:$0x3FB2] =	sst s4  }
0xd: {  	[smem:$0x3FB3] =	sst s5  }
0xe: {  	[smem:$0x3FB4] =	sst s6  }
0xf: {  	[smem:$0x3FB5] =	sst s7  }
0x10: {  	[smem:$0x3FB6] =	sst s8  }
0x11: {  	[smem:$0x3FB7] =	sst s9;
	s0 =	simm.s32 @!p0 $0x0  }
0x12: {  	s1 =	sld [smem:$0x3F9D];
	s0 =	simm.s32 @p0 $0x1  }
0x13: {  	[smem:$0x3FB8] =	sst s0;
	s0 =	simm.s32 @!p1 $0x0  }
0x14: {  	s2 =	sld [smem:$0x3F9C];
	s0 =	simm.s32 @p1 $0x1  }
0x15: {  	[smem:$0x3FB9] =	sst s0;
	s0 =	simm.s32 @!p2 $0x0  }
0x16: {  	s3 =	sld [smem:$0x3FDB];
	s0 =	simm.s32 @p2 $0x1  }
0x17: {  	s4 =	simm.s32 $0x1BF5;
	[smem:$0x3FBB] =	sst s0  }
0x18: {  	s0 =	sld [smem:$0x3F9E];
	_ =	swait.ge [sflag:s4], $0x0  }
0x19: {  	s7 =	sld [smem:$0x3F9F]  }
0x1a: {  	s8 =	sadd.s32 $0xFFFFE003, lr  }
0x1b: {  	s9 =	sadd.s32 $0xFFFFFEF7, lr;
	s5 =	simm.s32 $0xFFFFFFFF;
	p2 =	slt.u32 s8, $0xFFFFF086  }
0x1c: {  	p1 =	slt.u32 s9, $0xF7A;
	s5 =	simm.s32 @!p2 $0x0  }
0x1d: {  	s5 =	simm.s32 @p1 $0x1;
	p0 =	seq.s32 s7, s2  }
0x1e: {  	s7 =	smul.u32 @!p0 $0xF7A, s2;
	p2 =	seq.s32 @!p0 s5, $0x0  }
0x1f: {  	s9 =	smul.u32 $0xF7A, s1;
	s8 =	simm.s32 @!p0 $0x1BF5;
	p2 =	por !p2, p0  }
0x20: {  	[sflag:s8] =	ssyncset.s32 @!p0 $0xFFFFF086;
	s6 =	sadd.s32 @!p0 s3, s7;
	s7 =	simm.s32 @!p0 $0x108  }
0x21: {  	s3 =	sadd.s32 s3, s9;
	s6 =	sadd.s32 @!p0 $0x88, s6;
	s7 =	simm.s32 @p2 $0x1082  }
0x22: {  	[simem:s7], [sflag:s8] =	dma.local @!p0 [hbm:s6], $0xF7A  }
0x23: {  	s9 =	sor.u32 $0xD0000000, s2;
	s6 =	simm.s32 $0x108;
	_ =	swait.ge @!p0 [sflag:s8], $0x0  }
0x24: {  	s3 =	sadd.s32 $0x88, s3;
	s6 =	simm.s32 @!p1 $0x1082;
	[sflag:s4] =	ssyncset.s32 $0xFFFFF086  }
0x25: {  	[simem:s6], [sflag:s4] =	dma.local [hbm:s3], $0xF7A  }
0x26: {  	[smem:$0x3F9F] =	sst s1;
	(tag) =	ssettag s2;
	_ =	strace s9  }
0x27: {  	s1 =	sld [smem:$0x3FAF]  }
0x28: {  	s2 =	sld [smem:$0x3FB0]  }
0x29: {  	s4 =	sld [smem:$0x3FB2]  }
0x2a: {  	p0 =	seq.s32 s5, $0x0;
	s5 =	sld [smem:$0x3FB3]  }
0x2b: {  	s6 =	sld [smem:$0x3FB4]  }
0x2c: {  	s7 =	sld [smem:$0x3FB5]  }
0x2d: {  	s3 =	simm.s32 $0x108;
	s8 =	sld [smem:$0x3FB6]  }
0x2e: {  	s3 =	simm.s32 @!p0 $0x1082;
	s9 =	sld [smem:$0x3FB7]  }
0x2f: {  	lr =	sadd.s32 s0, s3;
	s0 =	sld [smem:$0x3FAE]  }
0x30: {  	s3 =	sld [smem:$0x3FB1]  }
0x31: {  	[smem:$0x3FBA] =	sst s10  }
0x32: {  	s10 =	sld [smem:$0x3FB8];
	_ =	sdelay $0x3  }
0x33: {  	p0 =	seq.s32 s10, $0x1;
	s10 =	sld [smem:$0x3FBA];
	_ =	sdelay $0x3  }
0x34: {  	[smem:$0x3FBA] =	sst s10  }
0x35: {  	s10 =	sld [smem:$0x3FB9];
	_ =	sdelay $0x3  }
0x36: {  	p1 =	seq.s32 s10, $0x1;
	s10 =	sld [smem:$0x3FBA];
	_ =	sdelay $0x3  }
0x37: {  	[smem:$0x3FBA] =	sst s10  }
0x38: {  	s10 =	sld [smem:$0x3FBB]  }
0x39: {  	_ = 	snop;
	(pc) =	sbr.ind lr, $3  }
0x3a: {  	_ = 	snop  }
0x3b: {  	_ = 	snop  }
0x3c: {  	p2 =	seq.s32 s10, $0x1;
	s10 =	sld [smem:$0x3FBA]  }
0x3d: {  	_ =	shalt  }
0x3e: {  	_ =	shalt  }
0x3f: {  	_ =	shalt  }
0x40: {  	_ =	shalt  }
0x41: {  	_ =	shalt  }
0x42: {  	_ =	shalt  }
0x43: {  	_ =	shalt  }
0x44: {  	_ =	shalt  }
0x45: {  	_ =	shalt  }
0x46: {  	_ =	shalt  }
0x47: {  	_ =	shalt  }
0x48: {  	_ =	shalt  }
0x49: {  	_ =	shalt  }
0x4a: {  	_ =	shalt  }
0x4b: {  	_ =	shalt  }
0x4c: {  	_ =	shalt  }
0x4d: {  	_ =	shalt  }
0x4e: {  	_ =	shalt  }
0x4f: {  	_ =	shalt  }
0x50: {  	_ =	shalt  }
0x51: {  	_ =	shalt  }
0x52: {  	_ =	shalt  }
0x53: {  	_ =	shalt  }
0x54: {  	_ =	shalt  }
0x55: {  	_ =	shalt  }
0x56: {  	_ =	shalt  }
0x57: {  	_ =	shalt  }
0x58: {  	_ =	shalt  }
0x59: {  	_ =	shalt  }
0x5a: {  	_ =	shalt  }
0x5b: {  	_ =	shalt  }
0x5c: {  	_ =	shalt  }
0x5d: {  	_ =	shalt  }
0x5e: {  	_ =	shalt  }
0x5f: {  	_ =	shalt  }
0x60: {  	_ =	shalt  }
0x61: {  	_ =	shalt  }
0x62: {  	_ =	shalt  }
0x63: {  	_ =	shalt  }
0x64: {  	_ =	shalt  }
0x65: {  	_ =	shalt  }
0x66: {  	_ =	shalt  }
0x67: {  	_ =	shalt  }
0x68: {  	_ =	shalt  }
0x69: {  	_ =	shalt  }
0x6a: {  	_ =	shalt  }
0x6b: {  	_ =	shalt  }
0x6c: {  	_ =	shalt  }
0x6d: {  	_ =	shalt  }
0x6e: {  	_ =	shalt  }
0x6f: {  	_ =	shalt  }
0x70: {  	_ =	shalt  }
0x71: {  	_ =	shalt  }
0x72: {  	_ =	shalt  }
0x73: {  	_ =	shalt  }
0x74: {  	_ =	shalt  }
0x75: {  	_ =	shalt  }
0x76: {  	_ =	shalt  }
0x77: {  	_ =	shalt  }
0x78: {  	_ =	shalt  }
0x79: {  	_ =	shalt  }
0x7a: {  	_ =	shalt  }
0x7b: {  	_ =	shalt  }
0x7c: {  	_ =	shalt  }
0x7d: {  	_ =	shalt  }
0x7e: {  	_ =	shalt  }
0x7f: {  	_ =	shalt  }
0x80: {  	_ =	shalt  }
0x81: {  	_ =	shalt  }
0x82: {  	_ =	shalt  }
0x83: {  	_ =	shalt  }
0x84: {  	_ =	shalt  }
0x85: {  	_ =	shalt  }
0x86: {  	_ =	shalt  }
0x87: {  	_ =	shalt  }
.Lfunc_end0:
.L_simem_size_0:
called_computation.1_lowered:
.L_overlay_start_0:
0x88: {  	s2 =	sld [smem:$0x3FD9]  }
0x89: {  	s3 =	sld [smem:$0x3FFE];
	_ =	sdelay $0x1  }
0x8a: {  	s1 =	srdreg.scid  }
0x8b: {  	s0 =	sand.u32 $0x1, s1  }
0x8c: {  	s17 =	sshll.u32 s0, $0xA;
	s2 =	sadd.s32 s3, s2  }
0x8d: {  	s2 =	sadd.s32 s2, s17  }
0x8e: {  	[smem:$0x3FC6] =	sst s2  }
0x8f: {  	_ = 	snop  }
0x90: {  	s2 =	sld [smem:$0x3FC9]  }
0x91: {  	s18 =	sld [smem:$0x3FD0];
	(tm) =	ssettm $0x1  }
0x92: {  	s4 =	sld [smem:$0x3FFB];
	_ =	sdelay $0x3  }
0x93: {  	_ =	strace s4  }
0x94: {  	s4 =	sld [smem:$0x3FFC];
	_ =	sdelay $0x3  }
0x95: {  	_ =	strace s4  }
0x96: {  	s4 =	sld [smem:$0x3FFD];
	_ =	sdelay $0x3  }
0x97: {  	_ =	strace s4  }
0x98: {  	_ =	strace $0x8FFFFFFF  }
0x99: {  	s19 =	sld [smem:$0x3FDB];
	_ =	sdelay $0x1  }
0x9a: {  	s5 =	simm.s32 $_scs_section_size  }
0x9b: {  	s6 =	simm.s32 $_size__tile_overlayer_lowered;
	s7 =	simm.s32 $_tile_overlayer_lowered  }
0x9c: {  	s22 =	simm.s32 $0x1BFF;
	s21 =	sshll.u32 s7, $0x1;
	s4 =	sadd.s32 s5, s19  }
0x9d: {  	s8 =	simm.s32 $0x0;
	s20 =	sshll.u32 s6, $0x1;
	s6 =	sadd.s32 s21, s4  }
0x9e: {  	[timem:s8], [sflag:s22] =	dma.local [hbm:s6], s20  }
0x9f: {  	_ =	swait.ge [sflag:s22], s20  }
0xa0: {  	s5 =	ssub.s32 $0x0, s20;
	[sflag:s22] =	ssyncset.done $0x0  }
0xa1: {  	[sflag:s22] =	ssyncadd.s32 s5;
	_ =	sdelay $0x1  }
0xa2: {  	s23 =	simm.s32 $0x1B8B  }
0xa3: {  	_ =	swait.ge [sflag:s23], $0x1  }
0xa4: {  	[sflag:s23] =	ssyncset.done $0x0  }
0xa5: {  	s25 =	simm.s32 $0x1B8E;
	s24 =	sld [smem:$0x3FFE];
	[sflag:s23] =	ssyncadd.s32 $0xFFFFFFFF  }
0xa6: {  	s26 =	simm.s32 $execute0_lowered;
	[smem:$0x3FD2] =	sst s25  }
0xa7: {  	s6 =	sshll.u32 s26, $0x1;
	_ =	strace $0x80000046;
	[dreg:$0x1] =	wrdreg $0xFFFFFFFF  }
0xa8: {  	s28 =	simm.s32 $_size_execute0_lowered;
	s4 =	sadd.s32 s4, s6;
	[dreg:$0x0] =	wrdreg $0x0  }
0xa9: {  	s6 =	sshll.u32 s28, $0x1;
	[dreg:$0x2] =	wrdreg s4  }
0xaa: {  	[dreg:$0x3] =	wrdreg s6  }
0xab: {  	[dreg:$0x4] =	wrdreg $0xC0  }
0xac: {  	_ =	task [dreg:s8], $0x5FFFF  }
0xad: {  	[dreg:$0x1] =	wrdreg $0xFFFFFFFF  }
0xae: {  	[dreg:$0x0] =	wrdreg $0x60  }
0xaf: {  	[dreg:$0x2] =	wrdreg s24  }
0xb0: {  	[dreg:$0x3] =	wrdreg s2  }
0xb1: {  	[dreg:$0x4] =	wrdreg s18  }
0xb2: {  	[dreg:$0x5] =	wrdreg $0x9  }
0xb3: {  	_ =	task.clear_ibuf [dreg:s8], $0x6FFFF;
	_ =	strace $0x90000046  }
0xb4: {  	s29 =	simm.s32 $0x9;
	_ =	strace $0x80000048  }
0xb5: {  	_ =	swait.ge [sflag:s29], $0x1  }
0xb6: {  	[sflag:s29] =	ssyncadd.s32 $0xFFFFFFFF  }
0xb7: {  	_ =	strace $0x90000048  }
0xb8: {  	_ =	sfence  }
0xb9: {  	s30 =	sld [smem:$0x0];
	_ =	sdelay $0x2  }
0xba: {  	s31 =	sshll.u32 s1, $0xD;
	s1 =	sshrl.u32 s1, $0x2  }
0xbb: {  	s3 =	sand.u32 $0x4000, s31;
	s1 =	sadd.s32 s1, s30  }
0xbc: {  	s0 =	sor.u32 s3, s0;
	s1 =	sshll.u32 s1, $0x11  }
0xbd: {  	s0 =	sor.u32 s1, s0  }
0xbe: {  	s0 =	sadd.s32 $0x8F2B, s0  }
0xbf: {  	[sflag:s0] =	ssyncadd.remote.s32 $0x1  }
0xc0: {  	_ =	sfence.sel $0xFFFF  }
0xc1: {  	[dreg:$0x0] =	wrdreg $0xFFFFFFFF;
	(pc) =	sbr.abs _section_cstart, $3  }
0xc2: {  	[dreg:$0x1] =	wrdreg $0xFFFFFFFF  }
0xc3: {  	_ =	task.clear_ibuf [dreg:s8], $0x2FFFF;
	_ =	strace $0x9FFFFFFF  }
0xc4: {  	(tm) =	ssettm $0x7FFFFFFF  }
0xc5: {  	_ =	shalt  }
tec
execute0_lowered:
.L_overlay_start_1:
0x0: {  	(tag) =	ssettag $0x1  }
0x1: {  	s0 =	srdreg.scid;
	s1 =	rddreg [dreg:$0x0]  }
0x2: {  	s3 =	stileid.u32;
	s4 =	rddreg [dreg:$0x1]  }
0x3: {  	s8 =	rddreg [dreg:$0x2];
	s12 =	simm.s32 $0x6400;
	s13 =	simm.s32 $0x8400  }
0x4: {  	s15 =	simm.s32 $0xA400;
	s17 =	simm.s32 $0xC400;
	s19 =	simm.s32 $0xE400  }
0x5: {  	s21 =	simm.s32 $0x10400;
	s23 =	simm.s32 $0x12400;
	s28 =	simm.s32 $0x16400  }
0x6: {  	s29 =	simm.s32 $0x480;
	s30 =	simm.s32 $0x18400;
	s31 =	simm.s32 $0x1  }
0x7: {  	s14 =	simm.s32 $0x4;
	s16 =	simm.s32 $0x0;
	s0 =	sand.u32 $0x1, s0  }
0x8: {  	s2 =	sshll.u32 s3, $0x1;
	s10 =	smul.u32 $0xC800, s3;
	s3 =	sadd.s32 $0x800, s1  }
0x9: {  	s5 =	sor.u32 s0, s2;
	s9 =	ssub.s32 $0x2, s0;
	s0 =	smul.u32 $0x6400, s0  }
0xa: {  	s1 =	simm.s32 $0x2;
	s2 =	simm.s32 $0x0;
	s6 =	smul.u32 $0xC80, s5  }
0xb: {  	s7 =	smul.u32 $0x190000, s5;
	[smem:$0x7FF] =	sst s2;
	s11 =	sshrl.u32 s9, $0x1  }
0xc: {  	s5 =	smul.u32 $0x32000, s5;
	_ =	strace $0x80000047;
	s25 =	ssub.s32 s9, s11  }
0xd: {  	s0 =	sadd.s32 s0, s10;
	s10 =	simm.s32 $0x5;
	s11 =	simm.s32 $0x80  }
0xe: {  	s4 =	sadd.s32 s4, s6;
	s26 =	sshrl.u32 s7, $0x3;
	s5 =	sadd.s32 s8, s5  }
0xf: {  	s0 =	sshll.u32 s0, $0x3;
	s7 =	smax.u32 s25, $0x1;
	s6 =	sadd.s32 s8, s26  }
0x10: {  	s25 =	simm.s32 $0x14400;
	s0 =	sadd.s32 s8, s0;
	s6 =	sadd.s32 $0x30C00, s6  }
0x11: {  	s8 =	sadd.s32 $0x1400, s0;
	s9 =	sadd.s32 $0x2800, s0;
	s0 =	simm.s32 $0x3  }
.LBB2_1:
0x12: {  	[tilespmem:s2], [sflag:$0x5] =	stream.linear.gather [hbm4b:s4+s2], $0x6400, $0x38;
	[tilespmem:$0x1A400] =	vst v63  }
0x13: {  	_ =	swait.ge [sflag:s10], $0x6400  }
0x14: {  	[sflag:s10] =	ssyncset.done $0x0  }
0x15: {  	[sflag:s10] =	ssyncadd.s32 $0xFFFF9C00  }
0x16: {  	[tilespmem:s12], [sflag:$0x1] =	stream.indirect.gather [hbm4b:s3+s11], $0x40, s2, s11, $0xb8;
	[tilespmem:$0x1A400] =	vst v63  }
0x17: {  	_ = 	snop  }
0x18: {  	[tilespmem:s13], [sflag:$0x1] =	stream.indirect.gather [hbm4b:s3+s11], $0x40, s11, s11, $0xb8;
	[tilespmem:$0x1A400] =	vst v63  }
0x19: {  	s18 =	simm.s32 $0x100  }
0x1a: {  	[tilespmem:s15], [sflag:$0x1] =	stream.indirect.gather [hbm4b:s3+s11], $0x40, s18, s11, $0xb8;
	[tilespmem:$0x1A400] =	vst v63  }
0x1b: {  	s22 =	simm.s32 $0x180  }
0x1c: {  	[tilespmem:s17], [sflag:$0x1] =	stream.indirect.gather [hbm4b:s3+s11], $0x40, s22, s11, $0xb8;
	[tilespmem:$0x1A400] =	vst v63  }
0x1d: {  	s24 =	simm.s32 $0x200  }
0x1e: {  	[tilespmem:s19], [sflag:$0x1] =	stream.indirect.gather [hbm4b:s3+s11], $0x40, s24, s11, $0xb8;
	[tilespmem:$0x1A400] =	vst v63  }
0x1f: {  	s26 =	simm.s32 $0x280  }
0x20: {  	[tilespmem:s21], [sflag:$0x2] =	stream.indirect.gather [hbm4b:s3+s11], $0x40, s26, s11, $0xb8;
	[tilespmem:$0x1A400] =	vst v63  }
0x21: {  	s20 =	simm.s32 $0x300  }
0x22: {  	[tilespmem:s23], [sflag:$0x2] =	stream.indirect.gather [hbm4b:s3+s11], $0x40, s20, s11, $0xb8;
	[tilespmem:$0x1A400] =	vst v63  }
0x23: {  	s22 =	simm.s32 $0x380  }
0x24: {  	[tilespmem:s25], [sflag:$0x2] =	stream.indirect.gather [hbm4b:s3+s11], $0x40, s22, s11, $0xb8;
	[tilespmem:$0x1A400] =	vst v63  }
0x25: {  	s24 =	simm.s32 $0x400  }
0x26: {  	[tilespmem:s28], [sflag:$0x2] =	stream.indirect.gather [hbm4b:s3+s11], $0x40, s24, s11, $0xb8;
	[tilespmem:$0x1A400] =	vst v63  }
0x27: {  	_ = 	snop  }
0x28: {  	[tilespmem:s30], [sflag:$0x2] =	stream.indirect.gather [hbm4b:s3+s11], $0x40, s29, s11, $0xb8;
	[tilespmem:$0x1A400] =	vst v63  }
0x29: {  	_ =	swait.ge [sflag:s31], $0xA000  }
0x2a: {  	[sflag:s31] =	ssyncset.done $0x0  }
0x2b: {  	[sflag:s31] =	ssyncadd.s32 $0xFFFF6000  }
0x2c: {  	[hbm4b:s5+s2] =	stream.linear.scatter [tilespmem:s12], [sflag:$0x3], $0xA000, $0x38;
	[tilespmem:$0x1A400] =	vst v63  }
0x2d: {  	_ =	swait.ge [sflag:s1], $0xA000  }
0x2e: {  	[sflag:s1] =	ssyncset.done $0x0  }
0x2f: {  	[sflag:s1] =	ssyncadd.s32 $0xFFFF6000  }
0x30: {  	[hbm4b:s8+s2] =	stream.linear.scatter [tilespmem:s21], [sflag:$0x4], $0xA000, $0x38;
	[tilespmem:$0x1A400] =	vst v63  }
0x31: {  	_ =	swait.ge [sflag:s0], $0xA000  }
0x32: {  	[sflag:s0] =	ssyncset.done $0x0  }
0x33: {  	s26 =	simm.s32 $0x500;
	[sflag:s0] =	ssyncadd.s32 $0xFFFF6000  }
0x34: {  	[tilespmem:s12], [sflag:$0x1] =	stream.indirect.gather [hbm4b:s3+s11], $0x40, s26, s11, $0xb8;
	[tilespmem:$0x1A400] =	vst v63  }
0x35: {  	s20 =	simm.s32 $0x580  }
0x36: {  	[tilespmem:s13], [sflag:$0x1] =	stream.indirect.gather [hbm4b:s3+s11], $0x40, s20, s11, $0xb8;
	[tilespmem:$0x1A400] =	vst v63  }
0x37: {  	s22 =	simm.s32 $0x600  }
0x38: {  	[tilespmem:s15], [sflag:$0x1] =	stream.indirect.gather [hbm4b:s3+s11], $0x40, s22, s11, $0xb8;
	[tilespmem:$0x1A400] =	vst v63  }
0x39: {  	s24 =	simm.s32 $0x680  }
0x3a: {  	[tilespmem:s17], [sflag:$0x1] =	stream.indirect.gather [hbm4b:s3+s11], $0x40, s24, s11, $0xb8;
	[tilespmem:$0x1A400] =	vst v63  }
0x3b: {  	s26 =	simm.s32 $0x700  }
0x3c: {  	[tilespmem:s19], [sflag:$0x1] =	stream.indirect.gather [hbm4b:s3+s11], $0x40, s26, s11, $0xb8;
	[tilespmem:$0x1A400] =	vst v63  }
0x3d: {  	_ =	swait.ge [sflag:s31], $0xA000  }
0x3e: {  	[sflag:s31] =	ssyncset.done $0x0  }
0x3f: {  	[sflag:s31] =	ssyncadd.s32 $0xFFFF6000  }
0x40: {  	[hbm4b:s9+s2] =	stream.linear.scatter [tilespmem:s12], [sflag:$0x3], $0xA000, $0x38;
	[tilespmem:$0x1A400] =	vst v63  }
0x41: {  	_ =	swait.ge [sflag:s14], $0xA000  }
0x42: {  	[sflag:s14] =	ssyncset.done $0x0  }
0x43: {  	s20 =	simm.s32 $0x780;
	[sflag:s14] =	ssyncadd.s32 $0xFFFF6000  }
0x44: {  	[tilespmem:s21], [sflag:$0x2] =	stream.indirect.gather [hbm4b:s3+s11], $0x40, s20, s11, $0xb8;
	[tilespmem:$0x1A400] =	vst v63  }
0x45: {  	s22 =	simm.s32 $0x800  }
0x46: {  	[tilespmem:s23], [sflag:$0x2] =	stream.indirect.gather [hbm4b:s3+s11], $0x40, s22, s11, $0xb8;
	[tilespmem:$0x1A400] =	vst v63  }
0x47: {  	s18 =	simm.s32 $0x1400;
	s24 =	simm.s32 $0x880;
	s26 =	simm.s32 $0x900  }
0x48: {  	[tilespmem:s25], [sflag:$0x2] =	stream.indirect.gather [hbm4b:s3+s11], $0x40, s24, s11, $0xb8;
	[tilespmem:$0x1A400] =	vst v63  }
0x49: {  	s20 =	sadd.s32 $0x2800, s8;
	s22 =	sadd.s32 $0x2800, s9;
	s24 =	simm.s32 $0x980  }
0x4a: {  	[tilespmem:s28], [sflag:$0x2] =	stream.indirect.gather [hbm4b:s3+s11], $0x40, s26, s11, $0xb8;
	[tilespmem:$0x1A400] =	vst v63  }
.LBB2_2:
0x4b: {  	[tilespmem:s30], [sflag:$0x2] =	stream.indirect.gather [hbm4b:s3+s11], $0x40, s24, s11, $0xb8;
	[tilespmem:$0x1A400] =	vst v63  }
0x4c: {  	s24 =	smov.u32 s18  }
0x4d: {  	p0 =	sne.s32 s18, $0x16800;
	s18 =	sadd.s32 $0x1400, s18;
	_ =	swait.ge [sflag:s1], $0xA000  }
0x4e: {  	[sflag:s1] =	ssyncset.done $0x0  }
0x4f: {  	[sflag:s1] =	ssyncadd.s32 $0xFFFF6000  }
0x50: {  	[hbm4b:s20+s2] =	stream.linear.scatter [tilespmem:s21], [sflag:$0x4], $0xA000, $0x38;
	[tilespmem:$0x1A400] =	vst v63  }
0x51: {  	_ =	swait.ge [sflag:s0], $0xA000  }
0x52: {  	s24 =	sshra.s32 s24, $0x2;
	[sflag:s0] =	ssyncset.done $0x0  }
0x53: {  	s26 =	sadd.s32 $0x500, s24;
	[sflag:s0] =	ssyncadd.s32 $0xFFFF6000  }
0x54: {  	[tilespmem:s12], [sflag:$0x1] =	stream.indirect.gather [hbm4b:s3+s11], $0x40, s26, s11, $0xb8;
	[tilespmem:$0x1A400] =	vst v63  }
0x55: {  	s26 =	sadd.s32 $0x580, s24  }
0x56: {  	[tilespmem:s13], [sflag:$0x1] =	stream.indirect.gather [hbm4b:s3+s11], $0x40, s26, s11, $0xb8;
	[tilespmem:$0x1A400] =	vst v63  }
0x57: {  	s26 =	sadd.s32 $0x600, s24  }
0x58: {  	[tilespmem:s15], [sflag:$0x1] =	stream.indirect.gather [hbm4b:s3+s11], $0x40, s26, s11, $0xb8;
	[tilespmem:$0x1A400] =	vst v63  }
0x59: {  	s26 =	sadd.s32 $0x680, s24  }
0x5a: {  	[tilespmem:s17], [sflag:$0x1] =	stream.indirect.gather [hbm4b:s3+s11], $0x40, s26, s11, $0xb8;
	[tilespmem:$0x1A400] =	vst v63  }
0x5b: {  	s26 =	sadd.s32 $0x700, s24  }
0x5c: {  	[tilespmem:s19], [sflag:$0x1] =	stream.indirect.gather [hbm4b:s3+s11], $0x40, s26, s11, $0xb8;
	[tilespmem:$0x1A400] =	vst v63  }
0x5d: {  	_ =	swait.ge [sflag:s31], $0xA000  }
0x5e: {  	[sflag:s31] =	ssyncset.done $0x0  }
0x5f: {  	[sflag:s31] =	ssyncadd.s32 $0xFFFF6000  }
0x60: {  	[hbm4b:s22+s2] =	stream.linear.scatter [tilespmem:s12], [sflag:$0x3], $0xA000, $0x38;
	[tilespmem:$0x1A400] =	vst v63  }
0x61: {  	_ =	swait.ge [sflag:s14], $0xA000  }
0x62: {  	[sflag:s14] =	ssyncset.done $0x0  }
0x63: {  	s26 =	sadd.s32 $0x780, s24;
	[sflag:s14] =	ssyncadd.s32 $0xFFFF6000  }
0x64: {  	[tilespmem:s21], [sflag:$0x2] =	stream.indirect.gather [hbm4b:s3+s11], $0x40, s26, s11, $0xb8;
	[tilespmem:$0x1A400] =	vst v63  }
0x65: {  	s26 =	sadd.s32 $0x800, s24  }
0x66: {  	[tilespmem:s23], [sflag:$0x2] =	stream.indirect.gather [hbm4b:s3+s11], $0x40, s26, s11, $0xb8;
	[tilespmem:$0x1A400] =	vst v63  }
.Ltmp0:
0x67: {  	s26 =	sadd.s32 $0x880, s24;
	(pc) =	sbr.rel @p0 .LBB2_2-.Ltmp0, $4  }
0x68: {  	[tilespmem:s25], [sflag:$0x2] =	stream.indirect.gather [hbm4b:s3+s11], $0x40, s26, s11, $0xb8;
	[tilespmem:$0x1A400] =	vst v63  }
0x69: {  	s26 =	sadd.s32 $0x900, s24  }
0x6a: {  	[tilespmem:s28], [sflag:$0x2] =	stream.indirect.gather [hbm4b:s3+s11], $0x40, s26, s11, $0xb8;
	[tilespmem:$0x1A400] =	vst v63  }
0x6b: {  	s20 =	sadd.s32 $0x2800, s20;
	s22 =	sadd.s32 $0x2800, s22;
	s24 =	sadd.s32 $0x980, s24  }
0x6c: {  	[tilespmem:s30], [sflag:$0x2] =	stream.indirect.gather [hbm4b:s3+s11], $0x40, s24, s11, $0xb8;
	[tilespmem:$0x1A400] =	vst v63  }
0x6d: {  	_ =	swait.ge [sflag:s1], $0xA000  }
0x6e: {  	[sflag:s1] =	ssyncset.done $0x0  }
0x6f: {  	[sflag:s1] =	ssyncadd.s32 $0xFFFF6000  }
0x70: {  	s16 =	sadd.s32 $0x1, s16;
	_ =	swait.ge [sflag:s0], $0xA000  }
0x71: {  	p0 =	sne.s32 s16, s7;
	[sflag:s0] =	ssyncset.done $0x0  }
.Ltmp1:
0x72: {  	[sflag:s0] =	ssyncadd.s32 $0xFFFF6000;
	(pc) =	sbr.rel @p0 .LBB2_1-.Ltmp1, $4  }
0x73: {  	[hbm4b:s6+s2] =	stream.linear.scatter [tilespmem:s21], [sflag:$0x4], $0xA000, $0x38;
	[tilespmem:$0x1A400] =	vst v63  }
0x74: {  	_ =	swait.ge [sflag:s14], $0xA000  }
0x75: {  	[sflag:s14] =	ssyncset.done $0x0  }
0x76: {  	[sflag:s14] =	ssyncadd.s32 $0xFFFF6000  }
0x77: {  	_ =	sfence.sel $0x180000  }
0x78: {  	[bflag:$0x0] =	sbarrier.arrive $0xFFFF  }
0x79: {  	_ =	strace $0x90000047  }
0x7a: {  	s0 =	stileid.u32;
	[bflag:$0x2] =	sbarrier.arrive $0xFFFF  }
0x7b: {  	p0 =	sne.s32 s0, $0x0;
	s0 =	rddreg [dreg:$0x3]  }
0x7c: {  	s0 =	sadd.s32 @!p0 $0x100000, s0  }
0x7d: {  	[sflag:s0] =	ssyncadd.tile.s32 @!p0 $0x1;
	_ =	shalt  }
.Lfunc_end2:
_tile_overlayer_lowered:
.L_overlay_start_2:
0x7e: {  	(tag) =	ssettag $0x2  }
0x7f: {  	s0 =	rddreg [dreg:$0x0];
	s2 =	stileid.u32  }
0x80: {  	s1 =	rddreg [dreg:$0x1];
	p0 =	sne.s32 s2, $0x0  }
0x81: {  	s3 =	rddreg [dreg:$0x2];
	[bflag:$0x3] =	sbarrier.arrive $0xFFFF;
	s2 =	simm.s32 @!p0 $0x1C05  }
0x82: {  	[timem:s3], [sflag:s2] =	dma.local @!p0 [hbm:s0], s1  }
0x83: {  	s0 =	simm.s32 @!p0 $0x5  }
0x84: {  	_ =	swait.ge @!p0 [sflag:s0], s1  }
0x85: {  	s1 =	ssub.s32 @!p0 $0x0, s1;
	[sflag:s0] =	ssyncset.done @!p0 $0x0  }
0x86: {  	[sflag:s0] =	ssyncadd.s32 @!p0 s1  }
0x87: {  	[bflag:$0x3] =	sbarrier.arrive $0xFFFF  }
0x88: {  	_ =	shalt  }

// kernel: sparse-core-data-format-call.cloned.1.call-start
scs
called_computation_lowered:
.L_overlay_start_0:
0x0: {  	s2 =	sld [smem:$0x3FD9]  }
0x1: {  	s3 =	sld [smem:$0x3FFE];
	_ =	sdelay $0x1  }
0x2: {  	s1 =	srdreg.scid  }
0x3: {  	s0 =	sand.u32 $0x1, s1  }
0x4: {  	s18 =	sshll.u32 s0, $0xA;
	s2 =	sadd.s32 s3, s2  }
0x5: {  	s2 =	sadd.s32 s2, s18  }
0x6: {  	[smem:$0x3FC6] =	sst s2  }
0x7: {  	_ = 	snop  }
0x8: {  	s2 =	sld [smem:$0x3FD0];
	(tm) =	ssettm $0x1  }
0x9: {  	s19 =	sld [smem:$0x3FFB];
	_ =	sdelay $0x3  }
0xa: {  	_ =	strace s19  }
0xb: {  	s3 =	sld [smem:$0x3FFC];
	_ =	sdelay $0x3  }
0xc: {  	_ =	strace s3  }
0xd: {  	s3 =	sld [smem:$0x3FFD];
	_ =	sdelay $0x3  }
0xe: {  	_ =	strace s3  }
0xf: {  	_ =	strace $0x8FFFFFFF  }
0x10: {  	s20 =	sld [smem:$0x3FDB];
	_ =	sdelay $0x1  }
0x11: {  	s4 =	simm.s32 $_scs_section_size  }
0x12: {  	s5 =	simm.s32 $_size__tile_overlayer_lowered;
	s6 =	simm.s32 $_tile_overlayer_lowered  }
0x13: {  	s23 =	simm.s32 $0x1BFF;
	s22 =	sshll.u32 s6, $0x1;
	s3 =	sadd.s32 s4, s20  }
0x14: {  	s7 =	simm.s32 $0x0;
	s21 =	sshll.u32 s5, $0x1;
	s5 =	sadd.s32 s22, s3  }
0x15: {  	[timem:s7], [sflag:s23] =	dma.local [hbm:s5], s21  }
0x16: {  	_ =	swait.ge [sflag:s23], s21  }
0x17: {  	s4 =	ssub.s32 $0x0, s21;
	[sflag:s23] =	ssyncset.done $0x0  }
0x18: {  	[sflag:s23] =	ssyncadd.s32 s4;
	_ =	sdelay $0x1  }
0x19: {  	s24 =	simm.s32 $0x1B8B  }
0x1a: {  	_ =	swait.ge [sflag:s24], $0x1  }
0x1b: {  	[sflag:s24] =	ssyncset.done $0x0  }
0x1c: {  	s26 =	simm.s32 $0x1B8E;
	s25 =	sld [smem:$0x3FFE];
	[sflag:s24] =	ssyncadd.s32 $0xFFFFFFFF  }
0x1d: {  	s27 =	simm.s32 $execute0_lowered;
	[smem:$0x3FD2] =	sst s26  }
0x1e: {  	s5 =	sshll.u32 s27, $0x1;
	_ =	strace $0x80000049;
	[dreg:$0x1] =	wrdreg $0xFFFFFFFF  }
0x1f: {  	s28 =	simm.s32 $_size_execute0_lowered;
	s3 =	sadd.s32 s3, s5;
	[dreg:$0x0] =	wrdreg $0x0  }
0x20: {  	s5 =	sshll.u32 s28, $0x1;
	[dreg:$0x2] =	wrdreg s3  }
0x21: {  	[dreg:$0x3] =	wrdreg s5  }
0x22: {  	[dreg:$0x4] =	wrdreg $0xC0  }
0x23: {  	_ =	task [dreg:s7], $0x5FFFF  }
0x24: {  	[dreg:$0x1] =	wrdreg $0xFFFFFFFF  }
0x25: {  	[dreg:$0x0] =	wrdreg $0x60  }
0x26: {  	[dreg:$0x2] =	wrdreg s25  }
0x27: {  	[dreg:$0x3] =	wrdreg s2  }
0x28: {  	[dreg:$0x4] =	wrdreg $0x9  }
0x29: {  	_ =	task.clear_ibuf [dreg:s7], $0x5FFFF;
	_ =	strace $0x90000049  }
0x2a: {  	s29 =	simm.s32 $0x9;
	_ =	strace $0x8000004B  }
0x2b: {  	_ =	swait.ge [sflag:s29], $0x1  }
0x2c: {  	[sflag:s29] =	ssyncadd.s32 $0xFFFFFFFF  }
0x2d: {  	_ =	strace $0x9000004B  }
0x2e: {  	_ =	sfence  }
0x2f: {  	s30 =	sld [smem:$0x0];
	_ =	sdelay $0x2  }
0x30: {  	s31 =	sshll.u32 s1, $0xD;
	s1 =	sshrl.u32 s1, $0x2  }
0x31: {  	s3 =	sand.u32 $0x4000, s31;
	s1 =	sadd.s32 s1, s30  }
0x32: {  	s0 =	sor.u32 s3, s0;
	s1 =	sshll.u32 s1, $0x11  }
0x33: {  	s0 =	sor.u32 s1, s0  }
0x34: {  	s0 =	sadd.s32 $0x8F2B, s0  }
0x35: {  	[sflag:s0] =	ssyncadd.remote.s32 $0x1  }
0x36: {  	_ =	sfence.sel $0xFFFF  }
0x37: {  	[dreg:$0x0] =	wrdreg $0xFFFFFFFF;
	(pc) =	sbr.abs _section_cstart, $3  }
0x38: {  	[dreg:$0x1] =	wrdreg $0xFFFFFFFF  }
0x39: {  	_ =	task.clear_ibuf [dreg:s7], $0x2FFFF;
	_ =	strace $0x9FFFFFFF  }
0x3a: {  	(tm) =	ssettm $0x7FFFFFFF  }
0x3b: {  	_ =	shalt  }
tec
execute0_lowered:
.L_overlay_start_1:
0x0: {  	(tag) =	ssettag $0x1  }
0x1: {  	s0 =	srdreg.scid  }
0x2: {  	s1 =	sshll.u32 s0, $0x4  }
0x3: {  	s4 =	rddreg [dreg:$0x0];
	s0 =	stileid.u32;
	s1 =	sand.u32 $0x10, s1  }
0x4: {  	s2 =	rddreg [dreg:$0x1];
	s7 =	simm.s32 $0x1;
	s1 =	sor.u32 s0, s1  }
0x5: {  	s8 =	simm.s32 $0x2;
	s11 =	simm.s32 $0x0;
	s3 =	sshll.u32 s1, $0x7  }
0x6: {  	s10 =	simm.s32 $0x0;
	s4 =	sadd.s32 $0x800, s4;
	s6 =	ssub.s32 $0xC8000, s3  }
.Ltmp0:
0x7: {  	s1 =	rddreg [dreg:$0x2];
	s5 =	sand.u32 $0xF80, s6;
	(pc) =	sbr.rel .LBB1_1-.Ltmp0, $4  }
0x8: {  	_ =	strace $0x8000004A;
	s9 =	smov.u32 s3;
	p0 =	sne.s32 s5, $0x0  }
0x9: {  	s6 =	sshrl.u32 s6, $0xC;
	s5 =	simm.s32 $0x1;
	s7 =	simm.s32 @!p0 $0x0  }
0xa: {  	[sflag:s5] =	ssyncpa.u1 $0x0;
	p0 =	por $0x0, $0x0;
	s6 =	sadd.s32 s7, s6  }
0xb: {  	[sflag:s8] =	ssyncpa.u1 $0x0;
	s8 =	simm.s32 $0x640000;
	s7 =	sadd.s32 $0x1, s6  }
.LBB1_4:
0xc: {  	s14 =	sshll.u32 s11, $0x3  }
0xd: {  	s30 =	sand.u32 $0x7F, s11;
	s15 =	sand.u32 $0xFFFFFC00, s14  }
0xe: {  	s11 =	sor.u32 s30, s15  }
0xf: {  	s15 =	smulhi.u32 $0x51EB851F, s11  }
0x10: {  	s14 =	smulhi.u32 $0x51EB851F, s14  }
0x11: {  	s15 =	sshrl.u32 s15, $0x12  }
0x12: {  	s14 =	sshrl.u32 s14, $0x12;
	s15 =	smul.u32 $0xC8000, s15  }
0x13: {  	s14 =	sand.u32 $0x3F, s14  }
0x14: {  	s14 =	smul.u32 $0x19000, s14;
	s11 =	ssub.s32 s11, s15  }
0x15: {  	[tilespmem:s13+$0x810 ss:$0x81] =	vst.msk $0xffff, v2;
	s15 =	sand.u32 $0x7, s11  }
0x16: {  	[tilespmem:s13+$0x1020 ss:$0x81] =	vst.msk $0xffff, v0;
	s14 =	sadd.s32 s2, s14;
	s11 =	sshrl.u32 s11, $0x3;
	s15 =	sshll.u32 s15, $0x12  }
0x17: {  	[tilespmem:s13+$0x0 ss:$0x81] =	vst.msk $0xffff, v1;
	s11 =	sadd.s32 s11, s14;
	s31 =	sor.u32 $0x400, s15  }
0x18: {  	[hbm4b:s11+s31] =	stream.strided.scatter [tilespmem:s12], [sflag:$0x2], $0x2000, s8, s31, $0x20;
	[tilespmem:$0x8080] =	vst v63  }
.LBB1_5:
0x19: {  	s13 =	sadd.s32 $0x1000, s9  }
0x1a: {  	p2 =	sgt.s32 s13, $0xC7FFF  }
0x1b: {  	s13 =	smov.u32 @p2 s3;
	p2 =	sne.s32 s10, s7  }
.Ltmp1:
0x1c: {  	p1 =	slt.u32 s10, $0x2;
	(pc) =	sbr.rel @!p2 .LBB1_6-.Ltmp1, $4  }
0x1d: {  	s12 =	simm.s32 @!p1 $0x2  }
0x1e: {  	s14 =	sadd.s32 $0x1, s10;
	_ =	swait.ge @!p1 [sflag:s12], $0x2000  }
0x1f: {  	s11 =	smov.u32 s9;
	p0 =	por !p0, !p0;
	[sflag:s12] =	ssyncset.done @!p1 $0x0  }
0x20: {  	s10 =	smov.u32 s14;
	s9 =	smov.u32 s13;
	[sflag:s12] =	ssyncadd.s32 @!p1 $0xFFFFE000  }
.LBB1_1:
0x21: {  	p1 =	sge.u32 s10, s6  }
0x22: {  	s12 =	sand.u32 @!p1 $0x1FFFFFF, s9  }
0x23: {  	s13 =	smulhi.u32 @!p1 $0x147AE15, s12;
	_ =	sdelay $0x1  }
0x24: {  	s13 =	sshrl.u32 @!p1 s13, $0xC  }
0x25: {  	s13 =	smul.u32 @!p1 $0xC8000, s13;
	_ =	sdelay $0x1  }
0x26: {  	s31 =	sadd.s32 $0xFFFFFFFF, s10;
	s14 =	sxor.u32 @!p1 $0xFFFFFFFF, s10;
	s12 =	ssub.s32 @!p1 s12, s13  }
0x27: {  	s15 =	simm.s32 @!p1 $0x80;
	s14 =	sshll.u32 @!p1 s14, $0xD;
	s12 =	sshll.u32 @!p1 s12, $0x4  }
0x28: {  	s13 =	sand.u32 @!p1 $0x2000, s14;
	s14 =	simm.s32 @!p1 $0x40;
	s12 =	sadd.s32 @!p1 s4, s12  }
0x29: {  	[tilespmem:s13], [sflag:$0x1] =	stream.strided.gather @!p1 [hbm4b:s12+s14], $0x2000, s15, s14, $0x38;
	[tilespmem:$0x8080] =	vst v63  }
0x2a: {  	p1 =	sge.u32 s31, s6  }
.Ltmp2:
0x2b: {  	_ = 	snop;
	(pc) =	sbr.rel @p1 .LBB1_5-.Ltmp2, $1  }
0x2c: {  	_ =	sdelay $0x3  }
0x2d: {  	s12 =	simm.s32 $0x1  }
0x2e: {  	_ =	swait.ge [sflag:s5], $0x2000;
	s12 =	simm.s32 @!p0 $0x0  }
0x2f: {  	[sflag:s5] =	ssyncset.done $0x0;
	s13 =	sshll.u32 s12, $0xD  }
0x30: {  	[sflag:s5] =	ssyncadd.s32 $0xFFFFE000;
	s16 =	sor.u32 $0x20, s13  }
0x31: {  	s12 =	smul.u32 $0x8100, s12;
	v3 =	vld [tilespmem:s16+$0x10]  }
0x32: {  	s30 =	sand.u32 $0x1, s10;
	v2 =	vld [tilespmem:s16+$0xFFFFFFF0]  }
0x33: {  	s13 =	smul.u32 $0x8100, s30;
	s12 =	sshrl.u32 s12, $0x2;
	v0 =	vld [tilespmem:s16+$0x0]  }
0x34: {  	v1 =	vld [tilespmem:s16+$0xFFFFFFE0];
	s14 =	sor.u32 $0x4000, s12  }
0x35: {  	s31 =	sshrl.u32 s13, $0x2;
	s13 =	sadd.s32 $0x0, s14  }
0x36: {  	s15 =	simm.s32 $0x4;
	s16 =	sadd.s32 $0x40, s16;
	s12 =	sor.u32 $0x4000, s31;
	[tilespmem:s13+$0x1830 ss:$0x81] =	vst.msk $0xffff, v3  }
.LBB1_3:
0x37: {  	v3 =	vld [tilespmem:s16+$0x10];
	p1 =	sne.s32 s15, $0x1FC;
	[tilespmem:s13+$0x810 ss:$0x81] =	vst.msk $0xffff, v2;
	s17 =	smov.u32 s15;
	s15 =	sadd.s32 $0x4, s15  }
.Ltmp3:
0x38: {  	v2 =	vld [tilespmem:s16+$0xFFFFFFF0];
	[tilespmem:s13+$0x1020 ss:$0x81] =	vst.msk $0xffff, v0;
	(pc) =	sbr.rel @p1 .LBB1_3-.Ltmp3, $4  }
0x39: {  	v0 =	vld [tilespmem:s16+$0x0];
	[tilespmem:s13+$0x0 ss:$0x81] =	vst.msk $0xffff, v1  }
0x3a: {  	s13 =	sshra.s32 s17, $0x2;
	v1 =	vld [tilespmem:s16+$0xFFFFFFE0]  }
0x3b: {  	s13 =	sadd.s32 s13, s14  }
0x3c: {  	s16 =	sadd.s32 $0x40, s16;
	[tilespmem:s13+$0x1830 ss:$0x81] =	vst.msk $0xffff, v3  }
.Ltmp4:
0x3d: {  	_ = 	snop;
	(pc) =	sbr.rel .LBB1_4-.Ltmp4, $1  }
0x3e: {  	_ =	sdelay $0x3  }
.LBB1_6:
0x3f: {  	_ =	sfence.sel $0x180000  }
0x40: {  	s2 =	simm.s32 $0x1;
	[bflag:$0x0] =	sbarrier.arrive $0xFFFF  }
0x41: {  	s31 =	simm.s32 $0x2;
	[sflag:s2] =	ssyncpa.u1 $0x1  }
0x42: {  	[sflag:s31] =	ssyncpa.u1 $0x1  }
0x43: {  	p0 =	sne.s32 s0, $0x0;
	_ =	strace $0x9000004A  }
0x44: {  	s0 =	sadd.s32 @!p0 $0x100000, s1;
	[bflag:$0x2] =	sbarrier.arrive $0xFFFF  }
0x45: {  	[sflag:s0] =	ssyncadd.tile.s32 @!p0 $0x1;
	_ =	shalt  }
.Lfunc_end1:
_tile_overlayer_lowered:
.L_overlay_start_2:
0x46: {  	(tag) =	ssettag $0x2  }
0x47: {  	s0 =	rddreg [dreg:$0x0];
	s2 =	stileid.u32  }
0x48: {  	s1 =	rddreg [dreg:$0x1];
	p0 =	sne.s32 s2, $0x0  }
0x49: {  	s3 =	rddreg [dreg:$0x2];
	[bflag:$0x3] =	sbarrier.arrive $0xFFFF;
	s2 =	simm.s32 @!p0 $0x1C01  }
0x4a: {  	[timem:s3], [sflag:s2] =	dma.local @!p0 [hbm:s0], s1  }
0x4b: {  	s0 =	simm.s32 @!p0 $0x1  }
0x4c: {  	_ =	swait.ge @!p0 [sflag:s0], s1  }
0x4d: {  	s1 =	ssub.s32 @!p0 $0x0, s1;
	[sflag:s0] =	ssyncset.done @!p0 $0x0  }
0x4e: {  	[sflag:s0] =	ssyncadd.s32 @!p0 s1  }
0x4f: {  	[bflag:$0x3] =	sbarrier.arrive $0xFFFF  }
0x50: {  	_ =	shalt  }

</sc_bundles>
